<compile_context>
chip_gen: v7x
topology: tpu7x:2x2x1
jax: 0.10.2.dev20260603
libtpu: 0.0.44.dev20260713+nightly
codegen_flags: <defaults>
</compile_context>

<pallas_src>
import functools

import jax
import jax.numpy as jnp
from jax import lax
from jax.experimental import pallas as pl
from jax.experimental.pallas import tpu as pltpu
from jax.experimental.pallas import tpu_sc as plsc

N = 10000
C = 128
E = 320000
NC = 2
NS = 16
NW = NC * NS
CHUNK = 128
CPW = 80
E_PAD = NW * CPW * CHUNK
N_PAD = 10240
ACC_ROWS = N_PAD
RPT = N_PAD // NS
DEG_W = 16

_mesh = plsc.VectorSubcoreMesh(
    core_axis_name="c", subcore_axis_name="s", num_cores=NC, num_subcores=NS
)


def _fill_f32(ref, nrows, ncols, val):
    vec = jnp.full((16,), val, jnp.float32)

    def row(i, carry):
        for k in range(ncols // 16):
            ref[i, pl.ds(k * 16, 16)] = vec
        return carry

    lax.fori_loop(0, nrows, row, 0)


@functools.partial(
    pl.kernel,
    out_type=jax.ShapeDtypeStruct((NC, N_PAD, C), jnp.float32),
    mesh=_mesh,
    scratch_types=[
        pltpu.VMEM((CPW, CHUNK), jnp.int32),
        pltpu.VMEM((CHUNK, DEG_W), jnp.float32),
        pltpu.VMEM((64, DEG_W), jnp.float32),
        pltpu.VMEM((64, C), jnp.float32),
        pltpu.VMEM_SHARED((ACC_ROWS, DEG_W), jnp.float32),
        pltpu.SemaphoreType.DMA,
    ],
)
def _deg_kernel(dst_hbm, out_hbm, idx_v, ones_v, buf16, buf128, acc_sh, sem):
    cid = lax.axis_index("c")
    sid = lax.axis_index("s")
    wid = cid * NS + sid
    _fill_f32(ones_v, CHUNK, DEG_W, 1.0)
    _fill_f32(buf16, 64, DEG_W, 0.0)
    for z in range(RPT // 64):
        pltpu.sync_copy(buf16, acc_sh.at[pl.ds(sid * RPT + z * 64, 64)])
    plsc.subcore_barrier()
    pltpu.sync_copy(dst_hbm.at[pl.ds(wid * CPW, CPW)], idx_v)

    K = 16

    def group(g, carry):
        def fire(j, carry2):
            pltpu.async_copy(ones_v, acc_sh.at[idx_v.at[g * K + j]], sem,
                             add=True)
            return carry2

        lax.fori_loop(0, K, fire, 0)

        def drain(j, carry2):
            pltpu.make_async_copy(
                ones_v, acc_sh.at[idx_v.at[g * K + j]], sem).wait()
            return carry2

        lax.fori_loop(0, K, drain, 0)
        return carry

    lax.fori_loop(0, CPW // K, group, 0)
    plsc.subcore_barrier()
    def wb(g, carry):
        pltpu.sync_copy(acc_sh.at[pl.ds(sid * RPT + g * 64, 64)], buf16)

        def rep(i, carry2):
            v = buf16[i]
            for k in range(C // DEG_W):
                buf128[i, pl.ds(k * DEG_W, DEG_W)] = v
            return carry2

        lax.fori_loop(0, 64, rep, 0)
        pltpu.sync_copy(buf128, out_hbm.at[cid, pl.ds(sid * RPT + g * 64, 64)])
        return carry

    lax.fori_loop(0, RPT // 64, wb, 0)


@functools.partial(
    pl.kernel,
    out_type=jax.ShapeDtypeStruct((NC, N_PAD, C), jnp.float32),
    mesh=_mesh,
    scratch_types=[
        pltpu.VMEM((CPW // 2, CHUNK), jnp.int32),
        pltpu.VMEM((CPW // 2, CHUNK), jnp.int32),
        pltpu.VMEM((CHUNK, C), jnp.float32),
        pltpu.VMEM((CHUNK, C), jnp.float32),
        pltpu.VMEM_SHARED((ACC_ROWS, C), jnp.float32),
        pltpu.SemaphoreType.DMA,
        pltpu.SemaphoreType.DMA,
    ],
)
def _agg_kernel(y_hbm, src_hbm, dst_hbm, out_hbm, src_v, dst_v, rows0, rows1,
                acc_sh, sem0, sem1):
    cid = lax.axis_index("c")
    sid = lax.axis_index("s")
    wid = cid * NS + sid
    CPP = CPW // 2
    _fill_f32(rows0, CHUNK, C, 0.0)
    for k in range(RPT // CHUNK):
        pltpu.sync_copy(rows0, acc_sh.at[pl.ds(sid * RPT + k * CHUNK, CHUNK)])
    plsc.subcore_barrier()

    for p in range(2):
        base = wid * CPW + p * CPP
        pltpu.sync_copy(src_hbm.at[pl.ds(base, CPP)], src_v)
        pltpu.sync_copy(dst_hbm.at[pl.ds(base, CPP)], dst_v)
        pltpu.async_copy(y_hbm.at[src_v.at[0]], rows0, sem0)

        def body(t, carry):
            j0 = 2 * t
            j1 = j0 + 1
            pltpu.async_copy(y_hbm.at[src_v.at[j1]], rows1, sem1)
            pltpu.make_async_copy(y_hbm.at[src_v.at[j0]], rows0, sem0).wait()
            pltpu.sync_copy(rows0, acc_sh.at[dst_v.at[j0]], add=True)

            @pl.when(j0 + 2 < CPP)
            def _():
                pltpu.async_copy(y_hbm.at[src_v.at[j0 + 2]], rows0, sem0)

            pltpu.make_async_copy(y_hbm.at[src_v.at[j1]], rows1, sem1).wait()
            pltpu.sync_copy(rows1, acc_sh.at[dst_v.at[j1]], add=True)
            return carry

        lax.fori_loop(0, CPP // 2, body, 0)
    plsc.subcore_barrier()

    NG = RPT // CHUNK
    bufs = (rows0, rows1)
    pltpu.async_copy(acc_sh.at[pl.ds(sid * RPT, CHUNK)], rows0, sem0)
    for k in range(NG):
        b = bufs[k % 2]
        row0 = sid * RPT + k * CHUNK
        pltpu.make_async_copy(acc_sh.at[pl.ds(row0, CHUNK)], b, sem0).wait()
        if k + 1 < NG:
            pltpu.async_copy(
                acc_sh.at[pl.ds(row0 + CHUNK, CHUNK)], bufs[(k + 1) % 2], sem0)
        pltpu.sync_copy(b, out_hbm.at[cid, pl.ds(row0, CHUNK)])


_BR = 1000
_G = N // _BR


def _scale_body(degp_ref, x_ref, y_ref):
    deg = degp_ref[0, :, 0:1] + degp_ref[1, :, 0:1] + 1.0
    y_ref[...] = lax.rsqrt(deg) * x_ref[...]


_scale = pl.pallas_call(
    _scale_body,
    grid=(_G,),
    in_specs=[
        pl.BlockSpec((2, _BR, C), lambda i: (0, i, 0)),
        pl.BlockSpec((_BR, C), lambda i: (i, 0)),
    ],
    out_specs=pl.BlockSpec((_BR, C), lambda i: (i, 0)),
    out_shape=jax.ShapeDtypeStruct((N, C), jnp.float32),
)


def _out_body(degp_ref, accp_ref, y_ref, wmu_ref, bmu_ref, wls_ref, bls_ref,
              mu_ref, ls_ref):
    deg = degp_ref[0, :, 0:1] + degp_ref[1, :, 0:1] + 1.0
    agg = lax.rsqrt(deg) * (accp_ref[0] + accp_ref[1] + y_ref[...])
    mu_ref[...] = jnp.dot(agg, wmu_ref[...],
                          preferred_element_type=jnp.float32) + bmu_ref[...]
    ls_ref[...] = jnp.dot(agg, wls_ref[...],
                          preferred_element_type=jnp.float32) + bls_ref[...]


_outputs = pl.pallas_call(
    _out_body,
    grid=(_G,),
    in_specs=[
        pl.BlockSpec((2, _BR, C), lambda i: (0, i, 0)),
        pl.BlockSpec((2, _BR, C), lambda i: (0, i, 0)),
        pl.BlockSpec((_BR, C), lambda i: (i, 0)),
        pl.BlockSpec((C, C), lambda i: (0, 0)),
        pl.BlockSpec((1, C), lambda i: (0, 0)),
        pl.BlockSpec((C, C), lambda i: (0, 0)),
        pl.BlockSpec((1, C), lambda i: (0, 0)),
    ],
    out_specs=[
        pl.BlockSpec((_BR, C), lambda i: (i, 0)),
        pl.BlockSpec((_BR, C), lambda i: (i, 0)),
    ],
    out_shape=[
        jax.ShapeDtypeStruct((N, C), jnp.float32),
        jax.ShapeDtypeStruct((N, C), jnp.float32),
    ],
)


def kernel(x, edge_index, W_mu, b_mu, W_logstd, b_logstd):
    src = edge_index[0].astype(jnp.int32)
    dst = edge_index[1].astype(jnp.int32)
    pad = E_PAD - E
    pad_iota = jnp.arange(pad, dtype=jnp.int32)
    src_p = jnp.concatenate([src, pad_iota % N])
    src_p = src_p.reshape(NW * CPW, CHUNK)
    dst_p = jnp.concatenate([dst, N + pad_iota % (N_PAD - N)])
    dst_p = dst_p.reshape(NW * CPW, CHUNK)
    degp = _deg_kernel(dst_p)
    y = _scale(degp, x)
    accp = _agg_kernel(y, src_p, dst_p)
    mu, logstd = _outputs(degp, accp, y, W_mu, b_mu.reshape(1, C),
                          W_logstd, b_logstd.reshape(1, C))
    return (mu, logstd)

# --- scband reference (transcript-rebuilt; emitter-appended) ---
"""Pipeline reference for scband-variational-linear-encoder-14061722927347 (READ-ONLY COPY).

The authoritative reference and input builder live on the scoring server;
editing this copy changes nothing except your own understanding.
"""

import jax, jax.numpy as jnp
import numpy as np

N_NODES = 10000
IN_CH = 128
OUT_CH = 128
N_EDGES = 320000


def gcn_conv(x, edge_index, W, b):
    # Faithful PyG GCNConv: add self-loops, symmetric degree normalization,
    # linear transform, scatter-add aggregation at destination, add bias.
    n = x.shape[0]
    src = edge_index[0]
    dst = edge_index[1]
    loop = jnp.arange(n, dtype=edge_index.dtype)
    src = jnp.concatenate([src, loop])
    dst = jnp.concatenate([dst, loop])
    ones = jnp.ones(src.shape[0], dtype=x.dtype)
    deg = jnp.zeros(n, dtype=x.dtype).at[dst].add(ones)
    deg_inv_sqrt = jnp.where(deg > 0, jax.lax.rsqrt(jnp.maximum(deg, 1e-12)), 0.0)
    norm = deg_inv_sqrt[src] * deg_inv_sqrt[dst]
    h = x @ W
    msg = h[src] * norm[:, None]
    out = jnp.zeros((n, W.shape[1]), dtype=x.dtype).at[dst].add(msg)
    return out + b


def setup_inputs(seed: int = 0) -> dict:
    key = jax.random.key(seed)
    k_x, k_e, k_wm, k_bm, k_wl, k_bl = [jax.random.fold_in(key, i) for i in range(6)]
    x = jax.random.normal(k_x, (N_NODES, IN_CH), dtype=jnp.float32)
    edge_index = jax.random.randint(k_e, (2, N_EDGES), 0, N_NODES, dtype=jnp.int64)
    scale = 1.0 / np.sqrt(IN_CH)
    W_mu = jax.random.uniform(k_wm, (IN_CH, OUT_CH), minval=-scale, maxval=scale, dtype=jnp.float32)
    b_mu = jnp.zeros((OUT_CH,), dtype=jnp.float32)
    W_logstd = jax.random.uniform(k_wl, (IN_CH, OUT_CH), minval=-scale, maxval=scale, dtype=jnp.float32)
    b_logstd = jnp.zeros((OUT_CH,), dtype=jnp.float32)
    return {"x": x, "edge_index": edge_index, "W_mu": W_mu, "b_mu": b_mu, "W_logstd": W_logstd, "b_logstd": b_logstd}


def reference(x, edge_index, W_mu, b_mu, W_logstd, b_logstd):
    mu = gcn_conv(x, edge_index, W_mu, b_mu)
    logstd = gcn_conv(x, edge_index, W_logstd, b_logstd)
    return (mu, logstd)

if __name__ == "__main__":
    import jax
    _d = setup_inputs()
    print(jax.jit(kernel)(*tuple(_d.values())))

</pallas_src>

<mosaic_0001>
#map = affine_map<(d0, d1) -> (0, 0)>
#map1 = affine_map<(d0, d1) -> (0, 0, 0)>
module attributes {stable_mosaic.version = 14 : i64} {
  func.func @_deg_kernel(%arg0: i32, %arg1: i32, %arg2: memref<2560x128xi32, #tpu.memory_space<hbm>>, %arg3: memref<2x10240x128xf32, #tpu.memory_space<hbm>>, %arg4: memref<80x128xi32, #tpu.memory_space<vmem>>, %arg5: memref<128x16xf32, #tpu.memory_space<vmem>>, %arg6: memref<64x16xf32, #tpu.memory_space<vmem>>, %arg7: memref<64x128xf32, #tpu.memory_space<vmem>>, %arg8: memref<10240x16xf32, #tpu.memory_space<vmem_shared>>, %arg9: memref<!tpu.dma_semaphore, #tpu.memory_space<semaphore_mem>>) attributes {dimension_semantics = [#tpu.dimension_semantics<core_parallel>, #tpu.dimension_semantics<subcore_parallel>], iteration_bounds = array<i64: 2, 16>, scalar_prefetch = 0 : i64, scratch_operands = 6 : i64, tpu.core_type = #tpu.core_type<sc_vector_subcore>, window_params = [{transform_indices = #map}, {transform_indices = #map1}]} {
    %mul3A = arith.constant 16 : i32
    %mul3A_0 = arith.muli %arg0, %mul3A : i32
    %add3A = arith.addi %mul3A_0, %arg1 : i32
    %broadcast_in_dim3A = arith.constant 1.000000e+00 : f32
    %broadcast_in_dim3A_1 = vector.broadcast %broadcast_in_dim3A : f32 to vector<16xf32>
    %scan3A = arith.constant 0 : i32
    %scan3A_2 = arith.constant 0 : i32
    %scan3A_3 = arith.constant 128 : i32
    %scan3A_4 = arith.addi %scan3A_2, %scan3A_3 : i32
    %scan3A_5 = arith.constant 1 : i32
    scf.for %scan3A_70 = %scan3A_2 to %scan3A_4 step %scan3A_5  : i32 {
      %swap3A = arith.index_cast %scan3A_70 : i32 to index
      %swap3A_71 = arith.constant 0 : index
      %swap3A_72 = tpu.vector_load %arg5[%swap3A, %swap3A_71] {strides = array<i32>} : memref<128x16xf32, #tpu.memory_space<vmem>>, vector<1x16xf32>,
      %swap3A_73 = vector.shape_cast %swap3A_72 : vector<1x16xf32> to vector<16xf32>
      %swap3A_74 = vector.shape_cast %broadcast_in_dim3A_1 : vector<16xf32> to vector<1x16xf32>
      tpu.vector_store %arg5[%swap3A, %swap3A_71], %swap3A_74 {strides = array<i32>} : memref<128x16xf32, #tpu.memory_space<vmem>>, vector<1x16xf32>,
    }
    %scan3A_6 = arith.constant 128 : i32
    %broadcast_in_dim3A_7 = arith.constant 0.000000e+00 : f32
    %broadcast_in_dim3A_8 = vector.broadcast %broadcast_in_dim3A_7 : f32 to vector<16xf32>
    %scan3A_9 = arith.constant 0 : i32
    %scan3A_10 = arith.constant 0 : i32
    %scan3A_11 = arith.constant 64 : i32
    %scan3A_12 = arith.addi %scan3A_10, %scan3A_11 : i32
    %scan3A_13 = arith.constant 1 : i32
    scf.for %scan3A_70 = %scan3A_10 to %scan3A_12 step %scan3A_13  : i32 {
      %swap3A = arith.index_cast %scan3A_70 : i32 to index
      %swap3A_71 = arith.constant 0 : index
      %swap3A_72 = tpu.vector_load %arg6[%swap3A, %swap3A_71] {strides = array<i32>} : memref<64x16xf32, #tpu.memory_space<vmem>>, vector<1x16xf32>,
      %swap3A_73 = vector.shape_cast %swap3A_72 : vector<1x16xf32> to vector<16xf32>
      %swap3A_74 = vector.shape_cast %broadcast_in_dim3A_8 : vector<16xf32> to vector<1x16xf32>
      tpu.vector_store %arg6[%swap3A, %swap3A_71], %swap3A_74 {strides = array<i32>} : memref<64x16xf32, #tpu.memory_space<vmem>>, vector<1x16xf32>,
    }
    %scan3A_14 = arith.constant 64 : i32
    %mul3A_15 = arith.constant 640 : i32
    %mul3A_16 = arith.muli %arg1, %mul3A_15 : i32
    %add3A_17 = arith.constant 0 : i32
    %add3A_18 = arith.addi %mul3A_16, %add3A_17 : i32
    "tpu.region"() ({
      %run_scoped3A = tpu.sem_alloc : memref<!tpu.dma_semaphore, #tpu.memory_space<semaphore_mem>>
      %dma_start3A = arith.constant 0 : i32
      %dma_start3A_70 = tpu.memref_slice %arg8[%add3A_18, %dma_start3A] : memref<10240x16xf32, #tpu.memory_space<vmem_shared>> -> memref<64x16xf32, #tpu.memory_space<vmem_shared>>
      %dma_start3A_71 = arith.constant 0 : i32
      %dma_start3A_72 = tpu.memref_slice %arg8[%add3A_18, %dma_start3A_71] : memref<10240x16xf32, #tpu.memory_space<vmem_shared>> -> memref<64x16xf32, #tpu.memory_space<vmem_shared>>
      tpu.enqueue_dma source(%arg6 : memref<64x16xf32, #tpu.memory_space<vmem>>) target(%dma_start3A_72 : memref<64x16xf32, #tpu.memory_space<vmem_shared>>) target_semaphore(%run_scoped3A : memref<!tpu.dma_semaphore, #tpu.memory_space<semaphore_mem>>)
      %dma_wait3A = arith.constant 0 : i32
      %dma_wait3A_73 = tpu.memref_slice %arg8[%add3A_18, %dma_wait3A] : memref<10240x16xf32, #tpu.memory_space<vmem_shared>> -> memref<64x16xf32, #tpu.memory_space<vmem_shared>>
      %dma_wait3A_74 = arith.constant 0 : i32
      %dma_wait3A_75 = tpu.memref_slice %arg8[%add3A_18, %dma_wait3A_74] : memref<10240x16xf32, #tpu.memory_space<vmem_shared>> -> memref<64x16xf32, #tpu.memory_space<vmem_shared>>
      tpu.wait_dma2 semaphore(%run_scoped3A : memref<!tpu.dma_semaphore, #tpu.memory_space<semaphore_mem>>) src(%arg6 : memref<64x16xf32, #tpu.memory_space<vmem>>) dst(%dma_wait3A_75 : memref<64x16xf32, #tpu.memory_space<vmem_shared>>)
      tpu.yield
    }) : () -> ()
    %mul3A_19 = arith.constant 640 : i32
    %mul3A_20 = arith.muli %arg1, %mul3A_19 : i32
    %add3A_21 = arith.constant 64 : i32
    %add3A_22 = arith.addi %mul3A_20, %add3A_21 : i32
    "tpu.region"() ({
      %run_scoped3A = tpu.sem_alloc : memref<!tpu.dma_semaphore, #tpu.memory_space<semaphore_mem>>
      %dma_start3A = arith.constant 0 : i32
      %dma_start3A_70 = tpu.memref_slice %arg8[%add3A_22, %dma_start3A] : memref<10240x16xf32, #tpu.memory_space<vmem_shared>> -> memref<64x16xf32, #tpu.memory_space<vmem_shared>>
      %dma_start3A_71 = arith.constant 0 : i32
      %dma_start3A_72 = tpu.memref_slice %arg8[%add3A_22, %dma_start3A_71] : memref<10240x16xf32, #tpu.memory_space<vmem_shared>> -> memref<64x16xf32, #tpu.memory_space<vmem_shared>>
      tpu.enqueue_dma source(%arg6 : memref<64x16xf32, #tpu.memory_space<vmem>>) target(%dma_start3A_72 : memref<64x16xf32, #tpu.memory_space<vmem_shared>>) target_semaphore(%run_scoped3A : memref<!tpu.dma_semaphore, #tpu.memory_space<semaphore_mem>>)
      %dma_wait3A = arith.constant 0 : i32
      %dma_wait3A_73 = tpu.memref_slice %arg8[%add3A_22, %dma_wait3A] : memref<10240x16xf32, #tpu.memory_space<vmem_shared>> -> memref<64x16xf32, #tpu.memory_space<vmem_shared>>
      %dma_wait3A_74 = arith.constant 0 : i32
      %dma_wait3A_75 = tpu.memref_slice %arg8[%add3A_22, %dma_wait3A_74] : memref<10240x16xf32, #tpu.memory_space<vmem_shared>> -> memref<64x16xf32, #tpu.memory_space<vmem_shared>>
      tpu.wait_dma2 semaphore(%run_scoped3A : memref<!tpu.dma_semaphore, #tpu.memory_space<semaphore_mem>>) src(%arg6 : memref<64x16xf32, #tpu.memory_space<vmem>>) dst(%dma_wait3A_75 : memref<64x16xf32, #tpu.memory_space<vmem_shared>>)
      tpu.yield
    }) : () -> ()
    %mul3A_23 = arith.constant 640 : i32
    %mul3A_24 = arith.muli %arg1, %mul3A_23 : i32
    %add3A_25 = arith.constant 128 : i32
    %add3A_26 = arith.addi %mul3A_24, %add3A_25 : i32
    "tpu.region"() ({
      %run_scoped3A = tpu.sem_alloc : memref<!tpu.dma_semaphore, #tpu.memory_space<semaphore_mem>>
      %dma_start3A = arith.constant 0 : i32
      %dma_start3A_70 = tpu.memref_slice %arg8[%add3A_26, %dma_start3A] : memref<10240x16xf32, #tpu.memory_space<vmem_shared>> -> memref<64x16xf32, #tpu.memory_space<vmem_shared>>
      %dma_start3A_71 = arith.constant 0 : i32
      %dma_start3A_72 = tpu.memref_slice %arg8[%add3A_26, %dma_start3A_71] : memref<10240x16xf32, #tpu.memory_space<vmem_shared>> -> memref<64x16xf32, #tpu.memory_space<vmem_shared>>
      tpu.enqueue_dma source(%arg6 : memref<64x16xf32, #tpu.memory_space<vmem>>) target(%dma_start3A_72 : memref<64x16xf32, #tpu.memory_space<vmem_shared>>) target_semaphore(%run_scoped3A : memref<!tpu.dma_semaphore, #tpu.memory_space<semaphore_mem>>)
      %dma_wait3A = arith.constant 0 : i32
      %dma_wait3A_73 = tpu.memref_slice %arg8[%add3A_26, %dma_wait3A] : memref<10240x16xf32, #tpu.memory_space<vmem_shared>> -> memref<64x16xf32, #tpu.memory_space<vmem_shared>>
      %dma_wait3A_74 = arith.constant 0 : i32
      %dma_wait3A_75 = tpu.memref_slice %arg8[%add3A_26, %dma_wait3A_74] : memref<10240x16xf32, #tpu.memory_space<vmem_shared>> -> memref<64x16xf32, #tpu.memory_space<vmem_shared>>
      tpu.wait_dma2 semaphore(%run_scoped3A : memref<!tpu.dma_semaphore, #tpu.memory_space<semaphore_mem>>) src(%arg6 : memref<64x16xf32, #tpu.memory_space<vmem>>) dst(%dma_wait3A_75 : memref<64x16xf32, #tpu.memory_space<vmem_shared>>)
      tpu.yield
    }) : () -> ()
    %mul3A_27 = arith.constant 640 : i32
    %mul3A_28 = arith.muli %arg1, %mul3A_27 : i32
    %add3A_29 = arith.constant 192 : i32
    %add3A_30 = arith.addi %mul3A_28, %add3A_29 : i32
    "tpu.region"() ({
      %run_scoped3A = tpu.sem_alloc : memref<!tpu.dma_semaphore, #tpu.memory_space<semaphore_mem>>
      %dma_start3A = arith.constant 0 : i32
      %dma_start3A_70 = tpu.memref_slice %arg8[%add3A_30, %dma_start3A] : memref<10240x16xf32, #tpu.memory_space<vmem_shared>> -> memref<64x16xf32, #tpu.memory_space<vmem_shared>>
      %dma_start3A_71 = arith.constant 0 : i32
      %dma_start3A_72 = tpu.memref_slice %arg8[%add3A_30, %dma_start3A_71] : memref<10240x16xf32, #tpu.memory_space<vmem_shared>> -> memref<64x16xf32, #tpu.memory_space<vmem_shared>>
      tpu.enqueue_dma source(%arg6 : memref<64x16xf32, #tpu.memory_space<vmem>>) target(%dma_start3A_72 : memref<64x16xf32, #tpu.memory_space<vmem_shared>>) target_semaphore(%run_scoped3A : memref<!tpu.dma_semaphore, #tpu.memory_space<semaphore_mem>>)
      %dma_wait3A = arith.constant 0 : i32
      %dma_wait3A_73 = tpu.memref_slice %arg8[%add3A_30, %dma_wait3A] : memref<10240x16xf32, #tpu.memory_space<vmem_shared>> -> memref<64x16xf32, #tpu.memory_space<vmem_shared>>
      %dma_wait3A_74 = arith.constant 0 : i32
      %dma_wait3A_75 = tpu.memref_slice %arg8[%add3A_30, %dma_wait3A_74] : memref<10240x16xf32, #tpu.memory_space<vmem_shared>> -> memref<64x16xf32, #tpu.memory_space<vmem_shared>>
      tpu.wait_dma2 semaphore(%run_scoped3A : memref<!tpu.dma_semaphore, #tpu.memory_space<semaphore_mem>>) src(%arg6 : memref<64x16xf32, #tpu.memory_space<vmem>>) dst(%dma_wait3A_75 : memref<64x16xf32, #tpu.memory_space<vmem_shared>>)
      tpu.yield
    }) : () -> ()
    %mul3A_31 = arith.constant 640 : i32
    %mul3A_32 = arith.muli %arg1, %mul3A_31 : i32
    %add3A_33 = arith.constant 256 : i32
    %add3A_34 = arith.addi %mul3A_32, %add3A_33 : i32
    "tpu.region"() ({
      %run_scoped3A = tpu.sem_alloc : memref<!tpu.dma_semaphore, #tpu.memory_space<semaphore_mem>>
      %dma_start3A = arith.constant 0 : i32
      %dma_start3A_70 = tpu.memref_slice %arg8[%add3A_34, %dma_start3A] : memref<10240x16xf32, #tpu.memory_space<vmem_shared>> -> memref<64x16xf32, #tpu.memory_space<vmem_shared>>
      %dma_start3A_71 = arith.constant 0 : i32
      %dma_start3A_72 = tpu.memref_slice %arg8[%add3A_34, %dma_start3A_71] : memref<10240x16xf32, #tpu.memory_space<vmem_shared>> -> memref<64x16xf32, #tpu.memory_space<vmem_shared>>
      tpu.enqueue_dma source(%arg6 : memref<64x16xf32, #tpu.memory_space<vmem>>) target(%dma_start3A_72 : memref<64x16xf32, #tpu.memory_space<vmem_shared>>) target_semaphore(%run_scoped3A : memref<!tpu.dma_semaphore, #tpu.memory_space<semaphore_mem>>)
      %dma_wait3A = arith.constant 0 : i32
      %dma_wait3A_73 = tpu.memref_slice %arg8[%add3A_34, %dma_wait3A] : memref<10240x16xf32, #tpu.memory_space<vmem_shared>> -> memref<64x16xf32, #tpu.memory_space<vmem_shared>>
      %dma_wait3A_74 = arith.constant 0 : i32
      %dma_wait3A_75 = tpu.memref_slice %arg8[%add3A_34, %dma_wait3A_74] : memref<10240x16xf32, #tpu.memory_space<vmem_shared>> -> memref<64x16xf32, #tpu.memory_space<vmem_shared>>
      tpu.wait_dma2 semaphore(%run_scoped3A : memref<!tpu.dma_semaphore, #tpu.memory_space<semaphore_mem>>) src(%arg6 : memref<64x16xf32, #tpu.memory_space<vmem>>) dst(%dma_wait3A_75 : memref<64x16xf32, #tpu.memory_space<vmem_shared>>)
      tpu.yield
    }) : () -> ()
    %mul3A_35 = arith.constant 640 : i32
    %mul3A_36 = arith.muli %arg1, %mul3A_35 : i32
    %add3A_37 = arith.constant 320 : i32
    %add3A_38 = arith.addi %mul3A_36, %add3A_37 : i32
    "tpu.region"() ({
      %run_scoped3A = tpu.sem_alloc : memref<!tpu.dma_semaphore, #tpu.memory_space<semaphore_mem>>
      %dma_start3A = arith.constant 0 : i32
      %dma_start3A_70 = tpu.memref_slice %arg8[%add3A_38, %dma_start3A] : memref<10240x16xf32, #tpu.memory_space<vmem_shared>> -> memref<64x16xf32, #tpu.memory_space<vmem_shared>>
      %dma_start3A_71 = arith.constant 0 : i32
      %dma_start3A_72 = tpu.memref_slice %arg8[%add3A_38, %dma_start3A_71] : memref<10240x16xf32, #tpu.memory_space<vmem_shared>> -> memref<64x16xf32, #tpu.memory_space<vmem_shared>>
      tpu.enqueue_dma source(%arg6 : memref<64x16xf32, #tpu.memory_space<vmem>>) target(%dma_start3A_72 : memref<64x16xf32, #tpu.memory_space<vmem_shared>>) target_semaphore(%run_scoped3A : memref<!tpu.dma_semaphore, #tpu.memory_space<semaphore_mem>>)
      %dma_wait3A = arith.constant 0 : i32
      %dma_wait3A_73 = tpu.memref_slice %arg8[%add3A_38, %dma_wait3A] : memref<10240x16xf32, #tpu.memory_space<vmem_shared>> -> memref<64x16xf32, #tpu.memory_space<vmem_shared>>
      %dma_wait3A_74 = arith.constant 0 : i32
      %dma_wait3A_75 = tpu.memref_slice %arg8[%add3A_38, %dma_wait3A_74] : memref<10240x16xf32, #tpu.memory_space<vmem_shared>> -> memref<64x16xf32, #tpu.memory_space<vmem_shared>>
      tpu.wait_dma2 semaphore(%run_scoped3A : memref<!tpu.dma_semaphore, #tpu.memory_space<semaphore_mem>>) src(%arg6 : memref<64x16xf32, #tpu.memory_space<vmem>>) dst(%dma_wait3A_75 : memref<64x16xf32, #tpu.memory_space<vmem_shared>>)
      tpu.yield
    }) : () -> ()
    %mul3A_39 = arith.constant 640 : i32
    %mul3A_40 = arith.muli %arg1, %mul3A_39 : i32
    %add3A_41 = arith.constant 384 : i32
    %add3A_42 = arith.addi %mul3A_40, %add3A_41 : i32
    "tpu.region"() ({
      %run_scoped3A = tpu.sem_alloc : memref<!tpu.dma_semaphore, #tpu.memory_space<semaphore_mem>>
      %dma_start3A = arith.constant 0 : i32
      %dma_start3A_70 = tpu.memref_slice %arg8[%add3A_42, %dma_start3A] : memref<10240x16xf32, #tpu.memory_space<vmem_shared>> -> memref<64x16xf32, #tpu.memory_space<vmem_shared>>
      %dma_start3A_71 = arith.constant 0 : i32
      %dma_start3A_72 = tpu.memref_slice %arg8[%add3A_42, %dma_start3A_71] : memref<10240x16xf32, #tpu.memory_space<vmem_shared>> -> memref<64x16xf32, #tpu.memory_space<vmem_shared>>
      tpu.enqueue_dma source(%arg6 : memref<64x16xf32, #tpu.memory_space<vmem>>) target(%dma_start3A_72 : memref<64x16xf32, #tpu.memory_space<vmem_shared>>) target_semaphore(%run_scoped3A : memref<!tpu.dma_semaphore, #tpu.memory_space<semaphore_mem>>)
      %dma_wait3A = arith.constant 0 : i32
      %dma_wait3A_73 = tpu.memref_slice %arg8[%add3A_42, %dma_wait3A] : memref<10240x16xf32, #tpu.memory_space<vmem_shared>> -> memref<64x16xf32, #tpu.memory_space<vmem_shared>>
      %dma_wait3A_74 = arith.constant 0 : i32
      %dma_wait3A_75 = tpu.memref_slice %arg8[%add3A_42, %dma_wait3A_74] : memref<10240x16xf32, #tpu.memory_space<vmem_shared>> -> memref<64x16xf32, #tpu.memory_space<vmem_shared>>
      tpu.wait_dma2 semaphore(%run_scoped3A : memref<!tpu.dma_semaphore, #tpu.memory_space<semaphore_mem>>) src(%arg6 : memref<64x16xf32, #tpu.memory_space<vmem>>) dst(%dma_wait3A_75 : memref<64x16xf32, #tpu.memory_space<vmem_shared>>)
      tpu.yield
    }) : () -> ()
    %mul3A_43 = arith.constant 640 : i32
    %mul3A_44 = arith.muli %arg1, %mul3A_43 : i32
    %add3A_45 = arith.constant 448 : i32
    %add3A_46 = arith.addi %mul3A_44, %add3A_45 : i32
    "tpu.region"() ({
      %run_scoped3A = tpu.sem_alloc : memref<!tpu.dma_semaphore, #tpu.memory_space<semaphore_mem>>
      %dma_start3A = arith.constant 0 : i32
      %dma_start3A_70 = tpu.memref_slice %arg8[%add3A_46, %dma_start3A] : memref<10240x16xf32, #tpu.memory_space<vmem_shared>> -> memref<64x16xf32, #tpu.memory_space<vmem_shared>>
      %dma_start3A_71 = arith.constant 0 : i32
      %dma_start3A_72 = tpu.memref_slice %arg8[%add3A_46, %dma_start3A_71] : memref<10240x16xf32, #tpu.memory_space<vmem_shared>> -> memref<64x16xf32, #tpu.memory_space<vmem_shared>>
      tpu.enqueue_dma source(%arg6 : memref<64x16xf32, #tpu.memory_space<vmem>>) target(%dma_start3A_72 : memref<64x16xf32, #tpu.memory_space<vmem_shared>>) target_semaphore(%run_scoped3A : memref<!tpu.dma_semaphore, #tpu.memory_space<semaphore_mem>>)
      %dma_wait3A = arith.constant 0 : i32
      %dma_wait3A_73 = tpu.memref_slice %arg8[%add3A_46, %dma_wait3A] : memref<10240x16xf32, #tpu.memory_space<vmem_shared>> -> memref<64x16xf32, #tpu.memory_space<vmem_shared>>
      %dma_wait3A_74 = arith.constant 0 : i32
      %dma_wait3A_75 = tpu.memref_slice %arg8[%add3A_46, %dma_wait3A_74] : memref<10240x16xf32, #tpu.memory_space<vmem_shared>> -> memref<64x16xf32, #tpu.memory_space<vmem_shared>>
      tpu.wait_dma2 semaphore(%run_scoped3A : memref<!tpu.dma_semaphore, #tpu.memory_space<semaphore_mem>>) src(%arg6 : memref<64x16xf32, #tpu.memory_space<vmem>>) dst(%dma_wait3A_75 : memref<64x16xf32, #tpu.memory_space<vmem_shared>>)
      tpu.yield
    }) : () -> ()
    %mul3A_47 = arith.constant 640 : i32
    %mul3A_48 = arith.muli %arg1, %mul3A_47 : i32
    %add3A_49 = arith.constant 512 : i32
    %add3A_50 = arith.addi %mul3A_48, %add3A_49 : i32
    "tpu.region"() ({
      %run_scoped3A = tpu.sem_alloc : memref<!tpu.dma_semaphore, #tpu.memory_space<semaphore_mem>>
      %dma_start3A = arith.constant 0 : i32
      %dma_start3A_70 = tpu.memref_slice %arg8[%add3A_50, %dma_start3A] : memref<10240x16xf32, #tpu.memory_space<vmem_shared>> -> memref<64x16xf32, #tpu.memory_space<vmem_shared>>
      %dma_start3A_71 = arith.constant 0 : i32
      %dma_start3A_72 = tpu.memref_slice %arg8[%add3A_50, %dma_start3A_71] : memref<10240x16xf32, #tpu.memory_space<vmem_shared>> -> memref<64x16xf32, #tpu.memory_space<vmem_shared>>
      tpu.enqueue_dma source(%arg6 : memref<64x16xf32, #tpu.memory_space<vmem>>) target(%dma_start3A_72 : memref<64x16xf32, #tpu.memory_space<vmem_shared>>) target_semaphore(%run_scoped3A : memref<!tpu.dma_semaphore, #tpu.memory_space<semaphore_mem>>)
      %dma_wait3A = arith.constant 0 : i32
      %dma_wait3A_73 = tpu.memref_slice %arg8[%add3A_50, %dma_wait3A] : memref<10240x16xf32, #tpu.memory_space<vmem_shared>> -> memref<64x16xf32, #tpu.memory_space<vmem_shared>>
      %dma_wait3A_74 = arith.constant 0 : i32
      %dma_wait3A_75 = tpu.memref_slice %arg8[%add3A_50, %dma_wait3A_74] : memref<10240x16xf32, #tpu.memory_space<vmem_shared>> -> memref<64x16xf32, #tpu.memory_space<vmem_shared>>
      tpu.wait_dma2 semaphore(%run_scoped3A : memref<!tpu.dma_semaphore, #tpu.memory_space<semaphore_mem>>) src(%arg6 : memref<64x16xf32, #tpu.memory_space<vmem>>) dst(%dma_wait3A_75 : memref<64x16xf32, #tpu.memory_space<vmem_shared>>)
      tpu.yield
    }) : () -> ()
    %mul3A_51 = arith.constant 640 : i32
    %mul3A_52 = arith.muli %arg1, %mul3A_51 : i32
    %add3A_53 = arith.constant 576 : i32
    %add3A_54 = arith.addi %mul3A_52, %add3A_53 : i32
    "tpu.region"() ({
      %run_scoped3A = tpu.sem_alloc : memref<!tpu.dma_semaphore, #tpu.memory_space<semaphore_mem>>
      %dma_start3A = arith.constant 0 : i32
      %dma_start3A_70 = tpu.memref_slice %arg8[%add3A_54, %dma_start3A] : memref<10240x16xf32, #tpu.memory_space<vmem_shared>> -> memref<64x16xf32, #tpu.memory_space<vmem_shared>>
      %dma_start3A_71 = arith.constant 0 : i32
      %dma_start3A_72 = tpu.memref_slice %arg8[%add3A_54, %dma_start3A_71] : memref<10240x16xf32, #tpu.memory_space<vmem_shared>> -> memref<64x16xf32, #tpu.memory_space<vmem_shared>>
      tpu.enqueue_dma source(%arg6 : memref<64x16xf32, #tpu.memory_space<vmem>>) target(%dma_start3A_72 : memref<64x16xf32, #tpu.memory_space<vmem_shared>>) target_semaphore(%run_scoped3A : memref<!tpu.dma_semaphore, #tpu.memory_space<semaphore_mem>>)
      %dma_wait3A = arith.constant 0 : i32
      %dma_wait3A_73 = tpu.memref_slice %arg8[%add3A_54, %dma_wait3A] : memref<10240x16xf32, #tpu.memory_space<vmem_shared>> -> memref<64x16xf32, #tpu.memory_space<vmem_shared>>
      %dma_wait3A_74 = arith.constant 0 : i32
      %dma_wait3A_75 = tpu.memref_slice %arg8[%add3A_54, %dma_wait3A_74] : memref<10240x16xf32, #tpu.memory_space<vmem_shared>> -> memref<64x16xf32, #tpu.memory_space<vmem_shared>>
      tpu.wait_dma2 semaphore(%run_scoped3A : memref<!tpu.dma_semaphore, #tpu.memory_space<semaphore_mem>>) src(%arg6 : memref<64x16xf32, #tpu.memory_space<vmem>>) dst(%dma_wait3A_75 : memref<64x16xf32, #tpu.memory_space<vmem_shared>>)
      tpu.yield
    }) : () -> ()
    %barrier3A = arith.constant 0 : index
    tpu.barrier barrier_id(%barrier3A)
    %mul3A_55 = arith.constant 80 : i32
    %mul3A_56 = arith.muli %add3A, %mul3A_55 : i32
    "tpu.region"() ({
      %run_scoped3A = tpu.sem_alloc : memref<!tpu.dma_semaphore, #tpu.memory_space<semaphore_mem>>
      %dma_start3A = arith.constant 0 : i32
      %dma_start3A_70 = tpu.memref_slice %arg2[%mul3A_56, %dma_start3A] : memref<2560x128xi32, #tpu.memory_space<hbm>> -> memref<80x128xi32, #tpu.memory_space<hbm>>
      %dma_start3A_71 = arith.constant 0 : i32
      %dma_start3A_72 = tpu.memref_slice %arg2[%mul3A_56, %dma_start3A_71] : memref<2560x128xi32, #tpu.memory_space<hbm>> -> memref<80x128xi32, #tpu.memory_space<hbm>>
      tpu.enqueue_dma source(%dma_start3A_72 : memref<80x128xi32, #tpu.memory_space<hbm>>) target(%arg4 : memref<80x128xi32, #tpu.memory_space<vmem>>) target_semaphore(%run_scoped3A : memref<!tpu.dma_semaphore, #tpu.memory_space<semaphore_mem>>)
      %dma_wait3A = arith.constant 0 : i32
      %dma_wait3A_73 = tpu.memref_slice %arg2[%mul3A_56, %dma_wait3A] : memref<2560x128xi32, #tpu.memory_space<hbm>> -> memref<80x128xi32, #tpu.memory_space<hbm>>
      %dma_wait3A_74 = arith.constant 0 : i32
      %dma_wait3A_75 = tpu.memref_slice %arg2[%mul3A_56, %dma_wait3A_74] : memref<2560x128xi32, #tpu.memory_space<hbm>> -> memref<80x128xi32, #tpu.memory_space<hbm>>
      tpu.wait_dma2 semaphore(%run_scoped3A : memref<!tpu.dma_semaphore, #tpu.memory_space<semaphore_mem>>) src(%dma_wait3A_75 : memref<80x128xi32, #tpu.memory_space<hbm>>) dst(%arg4 : memref<80x128xi32, #tpu.memory_space<vmem>>)
      tpu.yield
    }) : () -> ()
    %scan3A_57 = arith.constant 0 : i32
    %scan3A_58 = arith.constant 0 : i32
    %scan3A_59 = arith.constant 5 : i32
    %scan3A_60 = arith.addi %scan3A_58, %scan3A_59 : i32
    %scan3A_61 = arith.constant 1 : i32
    scf.for %scan3A_70 = %scan3A_58 to %scan3A_60 step %scan3A_61  : i32 {
      %scan3A_71 = arith.constant 0 : i32
      %scan3A_72 = arith.constant 0 : i32
      %scan3A_73 = arith.constant 16 : i32
      %scan3A_74 = arith.addi %scan3A_72, %scan3A_73 : i32
      %scan3A_75 = arith.constant 1 : i32
      scf.for %scan3A_83 = %scan3A_72 to %scan3A_74 step %scan3A_75  : i32 {
        %mul3A_84 = arith.constant 16 : i32
        %mul3A_85 = arith.muli %scan3A_70, %mul3A_84 : i32
        %add3A_86 = arith.addi %mul3A_85, %scan3A_83 : i32
        %dma_start3A = arith.constant 0 : i32
        %dma_start3A_87 = tpu.memref_slice %arg4[%add3A_86, %dma_start3A] : memref<80x128xi32, #tpu.memory_space<vmem>> -> memref<1x128xi32, #tpu.memory_space<vmem>>
        %dma_start3A_88 = tpu.memref_squeeze %dma_start3A_87 : memref<1x128xi32, #tpu.memory_space<vmem>> -> memref<128xi32, #tpu.memory_space<vmem>>
        %dma_start3A_89 = arith.constant 0 : i32
        %dma_start3A_90 = arith.constant 0 : i32
        %dma_start3A_91 = tpu.memref_slice %arg8[%dma_start3A_89, %dma_start3A_90] : memref<10240x16xf32, #tpu.memory_space<vmem_shared>> -> memref<10240x16xf32, #tpu.memory_space<vmem_shared>>
        tpu.enqueue_indirect_dma source(%arg5 : memref<128x16xf32, #tpu.memory_space<vmem>>) target(%dma_start3A_91 : memref<10240x16xf32, #tpu.memory_space<vmem_shared>>) offsets(%dma_start3A_88 : memref<128xi32, #tpu.memory_space<vmem>>) semaphore(%arg9 : memref<!tpu.dma_semaphore, #tpu.memory_space<semaphore_mem>>) {add = true}
      }
      %scan3A_76 = arith.constant 16 : i32
      %scan3A_77 = arith.constant 0 : i32
      %scan3A_78 = arith.constant 0 : i32
      %scan3A_79 = arith.constant 16 : i32
      %scan3A_80 = arith.addi %scan3A_78, %scan3A_79 : i32
      %scan3A_81 = arith.constant 1 : i32
      scf.for %scan3A_83 = %scan3A_78 to %scan3A_80 step %scan3A_81  : i32 {
        %mul3A_84 = arith.constant 16 : i32
        %mul3A_85 = arith.muli %scan3A_70, %mul3A_84 : i32
        %add3A_86 = arith.addi %mul3A_85, %scan3A_83 : i32
        %dma_wait3A = arith.constant 0 : i32
        %dma_wait3A_87 = tpu.memref_slice %arg4[%add3A_86, %dma_wait3A] : memref<80x128xi32, #tpu.memory_space<vmem>> -> memref<1x128xi32, #tpu.memory_space<vmem>>
        %dma_wait3A_88 = tpu.memref_squeeze %dma_wait3A_87 : memref<1x128xi32, #tpu.memory_space<vmem>> -> memref<128xi32, #tpu.memory_space<vmem>>
        %dma_wait3A_89 = arith.constant 0 : i32
        %dma_wait3A_90 = arith.constant 0 : i32
        %dma_wait3A_91 = tpu.memref_slice %arg8[%dma_wait3A_89, %dma_wait3A_90] : memref<10240x16xf32, #tpu.memory_space<vmem_shared>> -> memref<10240x16xf32, #tpu.memory_space<vmem_shared>>
        tpu.wait_indirect_dma semaphore(%arg9 : memref<!tpu.dma_semaphore, #tpu.memory_space<semaphore_mem>>) src(%arg5 : memref<128x16xf32, #tpu.memory_space<vmem>>) dst(%dma_wait3A_91 : memref<10240x16xf32, #tpu.memory_space<vmem_shared>>)
      }
      %scan3A_82 = arith.constant 16 : i32
    }
    %scan3A_62 = arith.constant 5 : i32
    %barrier3A_63 = arith.constant 0 : index
    tpu.barrier barrier_id(%barrier3A_63)
    %scan3A_64 = arith.constant 0 : i32
    %scan3A_65 = arith.constant 0 : i32
    %scan3A_66 = arith.constant 10 : i32
    %scan3A_67 = arith.addi %scan3A_65, %scan3A_66 : i32
    %scan3A_68 = arith.constant 1 : i32
    scf.for %scan3A_70 = %scan3A_65 to %scan3A_67 step %scan3A_68  : i32 {
      %mul3A_71 = arith.constant 640 : i32
      %mul3A_72 = arith.muli %arg1, %mul3A_71 : i32
      %mul3A_73 = arith.constant 64 : i32
      %mul3A_74 = arith.muli %scan3A_70, %mul3A_73 : i32
      %add3A_75 = arith.addi %mul3A_72, %mul3A_74 : i32
      "tpu.region"() ({
        %run_scoped3A = tpu.sem_alloc : memref<!tpu.dma_semaphore, #tpu.memory_space<semaphore_mem>>
        %dma_start3A = arith.constant 0 : i32
        %dma_start3A_87 = tpu.memref_slice %arg8[%add3A_75, %dma_start3A] : memref<10240x16xf32, #tpu.memory_space<vmem_shared>> -> memref<64x16xf32, #tpu.memory_space<vmem_shared>>
        %dma_start3A_88 = arith.constant 0 : i32
        %dma_start3A_89 = tpu.memref_slice %arg8[%add3A_75, %dma_start3A_88] : memref<10240x16xf32, #tpu.memory_space<vmem_shared>> -> memref<64x16xf32, #tpu.memory_space<vmem_shared>>
        tpu.enqueue_dma source(%dma_start3A_89 : memref<64x16xf32, #tpu.memory_space<vmem_shared>>) target(%arg6 : memref<64x16xf32, #tpu.memory_space<vmem>>) target_semaphore(%run_scoped3A : memref<!tpu.dma_semaphore, #tpu.memory_space<semaphore_mem>>)
        %dma_wait3A = arith.constant 0 : i32
        %dma_wait3A_90 = tpu.memref_slice %arg8[%add3A_75, %dma_wait3A] : memref<10240x16xf32, #tpu.memory_space<vmem_shared>> -> memref<64x16xf32, #tpu.memory_space<vmem_shared>>
        %dma_wait3A_91 = arith.constant 0 : i32
        %dma_wait3A_92 = tpu.memref_slice %arg8[%add3A_75, %dma_wait3A_91] : memref<10240x16xf32, #tpu.memory_space<vmem_shared>> -> memref<64x16xf32, #tpu.memory_space<vmem_shared>>
        tpu.wait_dma2 semaphore(%run_scoped3A : memref<!tpu.dma_semaphore, #tpu.memory_space<semaphore_mem>>) src(%dma_wait3A_92 : memref<64x16xf32, #tpu.memory_space<vmem_shared>>) dst(%arg6 : memref<64x16xf32, #tpu.memory_space<vmem>>)
        tpu.yield
      }) : () -> ()
      %scan3A_76 = arith.constant 0 : i32
      %scan3A_77 = arith.constant 0 : i32
      %scan3A_78 = arith.constant 64 : i32
      %scan3A_79 = arith.addi %scan3A_77, %scan3A_78 : i32
      %scan3A_80 = arith.constant 1 : i32
      scf.for %scan3A_87 = %scan3A_77 to %scan3A_79 step %scan3A_80  : i32 {
        %get3A = arith.index_cast %scan3A_87 : i32 to index
        %get3A_88 = arith.constant 0 : index
        %get3A_89 = tpu.vector_load %arg6[%get3A, %get3A_88] {strides = array<i32>} : memref<64x16xf32, #tpu.memory_space<vmem>>, vector<1x16xf32>,
        %get3A_90 = vector.shape_cast %get3A_89 : vector<1x16xf32> to vector<16xf32>
        %swap3A = arith.index_cast %scan3A_87 : i32 to index
        %swap3A_91 = arith.constant 0 : index
        %swap3A_92 = tpu.vector_load %arg7[%swap3A, %swap3A_91] {strides = array<i32>} : memref<64x128xf32, #tpu.memory_space<vmem>>, vector<1x16xf32>,
        %swap3A_93 = vector.shape_cast %swap3A_92 : vector<1x16xf32> to vector<16xf32>
        %swap3A_94 = vector.shape_cast %get3A_90 : vector<16xf32> to vector<1x16xf32>
        tpu.vector_store %arg7[%swap3A, %swap3A_91], %swap3A_94 {strides = array<i32>} : memref<64x128xf32, #tpu.memory_space<vmem>>, vector<1x16xf32>,
        %swap3A_95 = arith.index_cast %scan3A_87 : i32 to index
        %swap3A_96 = arith.constant 16 : index
        %swap3A_97 = tpu.vector_load %arg7[%swap3A_95, %swap3A_96] {strides = array<i32>} : memref<64x128xf32, #tpu.memory_space<vmem>>, vector<1x16xf32>,
        %swap3A_98 = vector.shape_cast %swap3A_97 : vector<1x16xf32> to vector<16xf32>
        %swap3A_99 = vector.shape_cast %get3A_90 : vector<16xf32> to vector<1x16xf32>
        tpu.vector_store %arg7[%swap3A_95, %swap3A_96], %swap3A_99 {strides = array<i32>} : memref<64x128xf32, #tpu.memory_space<vmem>>, vector<1x16xf32>,
        %swap3A_100 = arith.index_cast %scan3A_87 : i32 to index
        %swap3A_101 = arith.constant 32 : index
        %swap3A_102 = tpu.vector_load %arg7[%swap3A_100, %swap3A_101] {strides = array<i32>} : memref<64x128xf32, #tpu.memory_space<vmem>>, vector<1x16xf32>,
        %swap3A_103 = vector.shape_cast %swap3A_102 : vector<1x16xf32> to vector<16xf32>
        %swap3A_104 = vector.shape_cast %get3A_90 : vector<16xf32> to vector<1x16xf32>
        tpu.vector_store %arg7[%swap3A_100, %swap3A_101], %swap3A_104 {strides = array<i32>} : memref<64x128xf32, #tpu.memory_space<vmem>>, vector<1x16xf32>,
        %swap3A_105 = arith.index_cast %scan3A_87 : i32 to index
        %swap3A_106 = arith.constant 48 : index
        %swap3A_107 = tpu.vector_load %arg7[%swap3A_105, %swap3A_106] {strides = array<i32>} : memref<64x128xf32, #tpu.memory_space<vmem>>, vector<1x16xf32>,
        %swap3A_108 = vector.shape_cast %swap3A_107 : vector<1x16xf32> to vector<16xf32>
        %swap3A_109 = vector.shape_cast %get3A_90 : vector<16xf32> to vector<1x16xf32>
        tpu.vector_store %arg7[%swap3A_105, %swap3A_106], %swap3A_109 {strides = array<i32>} : memref<64x128xf32, #tpu.memory_space<vmem>>, vector<1x16xf32>,
        %swap3A_110 = arith.index_cast %scan3A_87 : i32 to index
        %swap3A_111 = arith.constant 64 : index
        %swap3A_112 = tpu.vector_load %arg7[%swap3A_110, %swap3A_111] {strides = array<i32>} : memref<64x128xf32, #tpu.memory_space<vmem>>, vector<1x16xf32>,
        %swap3A_113 = vector.shape_cast %swap3A_112 : vector<1x16xf32> to vector<16xf32>
        %swap3A_114 = vector.shape_cast %get3A_90 : vector<16xf32> to vector<1x16xf32>
        tpu.vector_store %arg7[%swap3A_110, %swap3A_111], %swap3A_114 {strides = array<i32>} : memref<64x128xf32, #tpu.memory_space<vmem>>, vector<1x16xf32>,
        %swap3A_115 = arith.index_cast %scan3A_87 : i32 to index
        %swap3A_116 = arith.constant 80 : index
        %swap3A_117 = tpu.vector_load %arg7[%swap3A_115, %swap3A_116] {strides = array<i32>} : memref<64x128xf32, #tpu.memory_space<vmem>>, vector<1x16xf32>,
        %swap3A_118 = vector.shape_cast %swap3A_117 : vector<1x16xf32> to vector<16xf32>
        %swap3A_119 = vector.shape_cast %get3A_90 : vector<16xf32> to vector<1x16xf32>
        tpu.vector_store %arg7[%swap3A_115, %swap3A_116], %swap3A_119 {strides = array<i32>} : memref<64x128xf32, #tpu.memory_space<vmem>>, vector<1x16xf32>,
        %swap3A_120 = arith.index_cast %scan3A_87 : i32 to index
        %swap3A_121 = arith.constant 96 : index
        %swap3A_122 = tpu.vector_load %arg7[%swap3A_120, %swap3A_121] {strides = array<i32>} : memref<64x128xf32, #tpu.memory_space<vmem>>, vector<1x16xf32>,
        %swap3A_123 = vector.shape_cast %swap3A_122 : vector<1x16xf32> to vector<16xf32>
        %swap3A_124 = vector.shape_cast %get3A_90 : vector<16xf32> to vector<1x16xf32>
        tpu.vector_store %arg7[%swap3A_120, %swap3A_121], %swap3A_124 {strides = array<i32>} : memref<64x128xf32, #tpu.memory_space<vmem>>, vector<1x16xf32>,
        %swap3A_125 = arith.index_cast %scan3A_87 : i32 to index
        %swap3A_126 = arith.constant 112 : index
        %swap3A_127 = tpu.vector_load %arg7[%swap3A_125, %swap3A_126] {strides = array<i32>} : memref<64x128xf32, #tpu.memory_space<vmem>>, vector<1x16xf32>,
        %swap3A_128 = vector.shape_cast %swap3A_127 : vector<1x16xf32> to vector<16xf32>
        %swap3A_129 = vector.shape_cast %get3A_90 : vector<16xf32> to vector<1x16xf32>
        tpu.vector_store %arg7[%swap3A_125, %swap3A_126], %swap3A_129 {strides = array<i32>} : memref<64x128xf32, #tpu.memory_space<vmem>>, vector<1x16xf32>,
      }
      %scan3A_81 = arith.constant 64 : i32
      %mul3A_82 = arith.constant 640 : i32
      %mul3A_83 = arith.muli %arg1, %mul3A_82 : i32
      %mul3A_84 = arith.constant 64 : i32
      %mul3A_85 = arith.muli %scan3A_70, %mul3A_84 : i32
      %add3A_86 = arith.addi %mul3A_83, %mul3A_85 : i32
      "tpu.region"() ({
        %run_scoped3A = tpu.sem_alloc : memref<!tpu.dma_semaphore, #tpu.memory_space<semaphore_mem>>
        %dma_start3A = arith.constant 0 : i32
        %dma_start3A_87 = tpu.memref_slice %arg3[%arg0, %add3A_86, %dma_start3A] : memref<2x10240x128xf32, #tpu.memory_space<hbm>> -> memref<1x64x128xf32, #tpu.memory_space<hbm>>
        %dma_start3A_88 = tpu.memref_squeeze %dma_start3A_87 : memref<1x64x128xf32, #tpu.memory_space<hbm>> -> memref<64x128xf32, #tpu.memory_space<hbm>>
        %dma_start3A_89 = arith.constant 0 : i32
        %dma_start3A_90 = tpu.memref_slice %arg3[%arg0, %add3A_86, %dma_start3A_89] : memref<2x10240x128xf32, #tpu.memory_space<hbm>> -> memref<1x64x128xf32, #tpu.memory_space<hbm>>
        %dma_start3A_91 = tpu.memref_squeeze %dma_start3A_90 : memref<1x64x128xf32, #tpu.memory_space<hbm>> -> memref<64x128xf32, #tpu.memory_space<hbm>>
        tpu.enqueue_dma source(%arg7 : memref<64x128xf32, #tpu.memory_space<vmem>>) target(%dma_start3A_91 : memref<64x128xf32, #tpu.memory_space<hbm>>) target_semaphore(%run_scoped3A : memref<!tpu.dma_semaphore, #tpu.memory_space<semaphore_mem>>)
        %dma_wait3A = arith.constant 0 : i32
        %dma_wait3A_92 = tpu.memref_slice %arg3[%arg0, %add3A_86, %dma_wait3A] : memref<2x10240x128xf32, #tpu.memory_space<hbm>> -> memref<1x64x128xf32, #tpu.memory_space<hbm>>
        %dma_wait3A_93 = tpu.memref_squeeze %dma_wait3A_92 : memref<1x64x128xf32, #tpu.memory_space<hbm>> -> memref<64x128xf32, #tpu.memory_space<hbm>>
        %dma_wait3A_94 = arith.constant 0 : i32
        %dma_wait3A_95 = tpu.memref_slice %arg3[%arg0, %add3A_86, %dma_wait3A_94] : memref<2x10240x128xf32, #tpu.memory_space<hbm>> -> memref<1x64x128xf32, #tpu.memory_space<hbm>>
        %dma_wait3A_96 = tpu.memref_squeeze %dma_wait3A_95 : memref<1x64x128xf32, #tpu.memory_space<hbm>> -> memref<64x128xf32, #tpu.memory_space<hbm>>
        tpu.wait_dma2 semaphore(%run_scoped3A : memref<!tpu.dma_semaphore, #tpu.memory_space<semaphore_mem>>) src(%arg7 : memref<64x128xf32, #tpu.memory_space<vmem>>) dst(%dma_wait3A_96 : memref<64x128xf32, #tpu.memory_space<hbm>>)
        tpu.yield
      }) : () -> ()
    }
    %scan3A_69 = arith.constant 10 : i32
    return
  }
}

#map = affine_map<(d0, d1) -> (0, 0)>
#map1 = affine_map<(d0, d1) -> (0, 0, 0)>
module attributes {stable_mosaic.version = 14 : i64} {
  func.func @_agg_kernel(%arg0: i32, %arg1: i32, %arg2: memref<10000x128xf32, #tpu.memory_space<hbm>>, %arg3: memref<2560x128xi32, #tpu.memory_space<hbm>>, %arg4: memref<2560x128xi32, #tpu.memory_space<hbm>>, %arg5: memref<2x10240x128xf32, #tpu.memory_space<hbm>>, %arg6: memref<40x128xi32, #tpu.memory_space<vmem>>, %arg7: memref<40x128xi32, #tpu.memory_space<vmem>>, %arg8: memref<128x128xf32, #tpu.memory_space<vmem>>, %arg9: memref<128x128xf32, #tpu.memory_space<vmem>>, %arg10: memref<10240x128xf32, #tpu.memory_space<vmem_shared>>, %arg11: memref<!tpu.dma_semaphore, #tpu.memory_space<semaphore_mem>>, %arg12: memref<!tpu.dma_semaphore, #tpu.memory_space<semaphore_mem>>) attributes {dimension_semantics = [#tpu.dimension_semantics<core_parallel>, #tpu.dimension_semantics<subcore_parallel>], iteration_bounds = array<i64: 2, 16>, scalar_prefetch = 0 : i64, scratch_operands = 7 : i64, tpu.core_type = #tpu.core_type<sc_vector_subcore>, window_params = [{transform_indices = #map}, {transform_indices = #map}, {transform_indices = #map}, {transform_indices = #map1}]} {
    %mul3A = arith.constant 16 : i32
    %mul3A_0 = arith.muli %arg0, %mul3A : i32
    %add3A = arith.addi %mul3A_0, %arg1 : i32
    %broadcast_in_dim3A = arith.constant 0.000000e+00 : f32
    %broadcast_in_dim3A_1 = vector.broadcast %broadcast_in_dim3A : f32 to vector<16xf32>
    %scan3A = arith.constant 0 : i32
    %scan3A_2 = arith.constant 0 : i32
    %scan3A_3 = arith.constant 128 : i32
    %scan3A_4 = arith.addi %scan3A_2, %scan3A_3 : i32
    %scan3A_5 = arith.constant 1 : i32
    scf.for %scan3A_130 = %scan3A_2 to %scan3A_4 step %scan3A_5  : i32 {
      %swap3A = arith.index_cast %scan3A_130 : i32 to index
      %swap3A_131 = arith.constant 0 : index
      %swap3A_132 = tpu.vector_load %arg8[%swap3A, %swap3A_131] {strides = array<i32>} : memref<128x128xf32, #tpu.memory_space<vmem>>, vector<1x16xf32>,
      %swap3A_133 = vector.shape_cast %swap3A_132 : vector<1x16xf32> to vector<16xf32>
      %swap3A_134 = vector.shape_cast %broadcast_in_dim3A_1 : vector<16xf32> to vector<1x16xf32>
      tpu.vector_store %arg8[%swap3A, %swap3A_131], %swap3A_134 {strides = array<i32>} : memref<128x128xf32, #tpu.memory_space<vmem>>, vector<1x16xf32>,
      %swap3A_135 = arith.index_cast %scan3A_130 : i32 to index
      %swap3A_136 = arith.constant 16 : index
      %swap3A_137 = tpu.vector_load %arg8[%swap3A_135, %swap3A_136] {strides = array<i32>} : memref<128x128xf32, #tpu.memory_space<vmem>>, vector<1x16xf32>,
      %swap3A_138 = vector.shape_cast %swap3A_137 : vector<1x16xf32> to vector<16xf32>
      %swap3A_139 = vector.shape_cast %broadcast_in_dim3A_1 : vector<16xf32> to vector<1x16xf32>
      tpu.vector_store %arg8[%swap3A_135, %swap3A_136], %swap3A_139 {strides = array<i32>} : memref<128x128xf32, #tpu.memory_space<vmem>>, vector<1x16xf32>,
      %swap3A_140 = arith.index_cast %scan3A_130 : i32 to index
      %swap3A_141 = arith.constant 32 : index
      %swap3A_142 = tpu.vector_load %arg8[%swap3A_140, %swap3A_141] {strides = array<i32>} : memref<128x128xf32, #tpu.memory_space<vmem>>, vector<1x16xf32>,
      %swap3A_143 = vector.shape_cast %swap3A_142 : vector<1x16xf32> to vector<16xf32>
      %swap3A_144 = vector.shape_cast %broadcast_in_dim3A_1 : vector<16xf32> to vector<1x16xf32>
      tpu.vector_store %arg8[%swap3A_140, %swap3A_141], %swap3A_144 {strides = array<i32>} : memref<128x128xf32, #tpu.memory_space<vmem>>, vector<1x16xf32>,
      %swap3A_145 = arith.index_cast %scan3A_130 : i32 to index
      %swap3A_146 = arith.constant 48 : index
      %swap3A_147 = tpu.vector_load %arg8[%swap3A_145, %swap3A_146] {strides = array<i32>} : memref<128x128xf32, #tpu.memory_space<vmem>>, vector<1x16xf32>,
      %swap3A_148 = vector.shape_cast %swap3A_147 : vector<1x16xf32> to vector<16xf32>
      %swap3A_149 = vector.shape_cast %broadcast_in_dim3A_1 : vector<16xf32> to vector<1x16xf32>
      tpu.vector_store %arg8[%swap3A_145, %swap3A_146], %swap3A_149 {strides = array<i32>} : memref<128x128xf32, #tpu.memory_space<vmem>>, vector<1x16xf32>,
      %swap3A_150 = arith.index_cast %scan3A_130 : i32 to index
      %swap3A_151 = arith.constant 64 : index
      %swap3A_152 = tpu.vector_load %arg8[%swap3A_150, %swap3A_151] {strides = array<i32>} : memref<128x128xf32, #tpu.memory_space<vmem>>, vector<1x16xf32>,
      %swap3A_153 = vector.shape_cast %swap3A_152 : vector<1x16xf32> to vector<16xf32>
      %swap3A_154 = vector.shape_cast %broadcast_in_dim3A_1 : vector<16xf32> to vector<1x16xf32>
      tpu.vector_store %arg8[%swap3A_150, %swap3A_151], %swap3A_154 {strides = array<i32>} : memref<128x128xf32, #tpu.memory_space<vmem>>, vector<1x16xf32>,
      %swap3A_155 = arith.index_cast %scan3A_130 : i32 to index
      %swap3A_156 = arith.constant 80 : index
      %swap3A_157 = tpu.vector_load %arg8[%swap3A_155, %swap3A_156] {strides = array<i32>} : memref<128x128xf32, #tpu.memory_space<vmem>>, vector<1x16xf32>,
      %swap3A_158 = vector.shape_cast %swap3A_157 : vector<1x16xf32> to vector<16xf32>
      %swap3A_159 = vector.shape_cast %broadcast_in_dim3A_1 : vector<16xf32> to vector<1x16xf32>
      tpu.vector_store %arg8[%swap3A_155, %swap3A_156], %swap3A_159 {strides = array<i32>} : memref<128x128xf32, #tpu.memory_space<vmem>>, vector<1x16xf32>,
      %swap3A_160 = arith.index_cast %scan3A_130 : i32 to index
      %swap3A_161 = arith.constant 96 : index
      %swap3A_162 = tpu.vector_load %arg8[%swap3A_160, %swap3A_161] {strides = array<i32>} : memref<128x128xf32, #tpu.memory_space<vmem>>, vector<1x16xf32>,
      %swap3A_163 = vector.shape_cast %swap3A_162 : vector<1x16xf32> to vector<16xf32>
      %swap3A_164 = vector.shape_cast %broadcast_in_dim3A_1 : vector<16xf32> to vector<1x16xf32>
      tpu.vector_store %arg8[%swap3A_160, %swap3A_161], %swap3A_164 {strides = array<i32>} : memref<128x128xf32, #tpu.memory_space<vmem>>, vector<1x16xf32>,
      %swap3A_165 = arith.index_cast %scan3A_130 : i32 to index
      %swap3A_166 = arith.constant 112 : index
      %swap3A_167 = tpu.vector_load %arg8[%swap3A_165, %swap3A_166] {strides = array<i32>} : memref<128x128xf32, #tpu.memory_space<vmem>>, vector<1x16xf32>,
      %swap3A_168 = vector.shape_cast %swap3A_167 : vector<1x16xf32> to vector<16xf32>
      %swap3A_169 = vector.shape_cast %broadcast_in_dim3A_1 : vector<16xf32> to vector<1x16xf32>
      tpu.vector_store %arg8[%swap3A_165, %swap3A_166], %swap3A_169 {strides = array<i32>} : memref<128x128xf32, #tpu.memory_space<vmem>>, vector<1x16xf32>,
    }
    %scan3A_6 = arith.constant 128 : i32
    %mul3A_7 = arith.constant 640 : i32
    %mul3A_8 = arith.muli %arg1, %mul3A_7 : i32
    %add3A_9 = arith.constant 0 : i32
    %add3A_10 = arith.addi %mul3A_8, %add3A_9 : i32
    "tpu.region"() ({
      %run_scoped3A = tpu.sem_alloc : memref<!tpu.dma_semaphore, #tpu.memory_space<semaphore_mem>>
      %dma_start3A_130 = arith.constant 0 : i32
      %dma_start3A_131 = tpu.memref_slice %arg10[%add3A_10, %dma_start3A_130] : memref<10240x128xf32, #tpu.memory_space<vmem_shared>> -> memref<128x128xf32, #tpu.memory_space<vmem_shared>>
      %dma_start3A_132 = arith.constant 0 : i32
      %dma_start3A_133 = tpu.memref_slice %arg10[%add3A_10, %dma_start3A_132] : memref<10240x128xf32, #tpu.memory_space<vmem_shared>> -> memref<128x128xf32, #tpu.memory_space<vmem_shared>>
      tpu.enqueue_dma source(%arg8 : memref<128x128xf32, #tpu.memory_space<vmem>>) target(%dma_start3A_133 : memref<128x128xf32, #tpu.memory_space<vmem_shared>>) target_semaphore(%run_scoped3A : memref<!tpu.dma_semaphore, #tpu.memory_space<semaphore_mem>>)
      %dma_wait3A_134 = arith.constant 0 : i32
      %dma_wait3A_135 = tpu.memref_slice %arg10[%add3A_10, %dma_wait3A_134] : memref<10240x128xf32, #tpu.memory_space<vmem_shared>> -> memref<128x128xf32, #tpu.memory_space<vmem_shared>>
      %dma_wait3A_136 = arith.constant 0 : i32
      %dma_wait3A_137 = tpu.memref_slice %arg10[%add3A_10, %dma_wait3A_136] : memref<10240x128xf32, #tpu.memory_space<vmem_shared>> -> memref<128x128xf32, #tpu.memory_space<vmem_shared>>
      tpu.wait_dma2 semaphore(%run_scoped3A : memref<!tpu.dma_semaphore, #tpu.memory_space<semaphore_mem>>) src(%arg8 : memref<128x128xf32, #tpu.memory_space<vmem>>) dst(%dma_wait3A_137 : memref<128x128xf32, #tpu.memory_space<vmem_shared>>)
      tpu.yield
    }) : () -> ()
    %mul3A_11 = arith.constant 640 : i32
    %mul3A_12 = arith.muli %arg1, %mul3A_11 : i32
    %add3A_13 = arith.constant 128 : i32
    %add3A_14 = arith.addi %mul3A_12, %add3A_13 : i32
    "tpu.region"() ({
      %run_scoped3A = tpu.sem_alloc : memref<!tpu.dma_semaphore, #tpu.memory_space<semaphore_mem>>
      %dma_start3A_130 = arith.constant 0 : i32
      %dma_start3A_131 = tpu.memref_slice %arg10[%add3A_14, %dma_start3A_130] : memref<10240x128xf32, #tpu.memory_space<vmem_shared>> -> memref<128x128xf32, #tpu.memory_space<vmem_shared>>
      %dma_start3A_132 = arith.constant 0 : i32
      %dma_start3A_133 = tpu.memref_slice %arg10[%add3A_14, %dma_start3A_132] : memref<10240x128xf32, #tpu.memory_space<vmem_shared>> -> memref<128x128xf32, #tpu.memory_space<vmem_shared>>
      tpu.enqueue_dma source(%arg8 : memref<128x128xf32, #tpu.memory_space<vmem>>) target(%dma_start3A_133 : memref<128x128xf32, #tpu.memory_space<vmem_shared>>) target_semaphore(%run_scoped3A : memref<!tpu.dma_semaphore, #tpu.memory_space<semaphore_mem>>)
      %dma_wait3A_134 = arith.constant 0 : i32
      %dma_wait3A_135 = tpu.memref_slice %arg10[%add3A_14, %dma_wait3A_134] : memref<10240x128xf32, #tpu.memory_space<vmem_shared>> -> memref<128x128xf32, #tpu.memory_space<vmem_shared>>
      %dma_wait3A_136 = arith.constant 0 : i32
      %dma_wait3A_137 = tpu.memref_slice %arg10[%add3A_14, %dma_wait3A_136] : memref<10240x128xf32, #tpu.memory_space<vmem_shared>> -> memref<128x128xf32, #tpu.memory_space<vmem_shared>>
      tpu.wait_dma2 semaphore(%run_scoped3A : memref<!tpu.dma_semaphore, #tpu.memory_space<semaphore_mem>>) src(%arg8 : memref<128x128xf32, #tpu.memory_space<vmem>>) dst(%dma_wait3A_137 : memref<128x128xf32, #tpu.memory_space<vmem_shared>>)
      tpu.yield
    }) : () -> ()
    %mul3A_15 = arith.constant 640 : i32
    %mul3A_16 = arith.muli %arg1, %mul3A_15 : i32
    %add3A_17 = arith.constant 256 : i32
    %add3A_18 = arith.addi %mul3A_16, %add3A_17 : i32
    "tpu.region"() ({
      %run_scoped3A = tpu.sem_alloc : memref<!tpu.dma_semaphore, #tpu.memory_space<semaphore_mem>>
      %dma_start3A_130 = arith.constant 0 : i32
      %dma_start3A_131 = tpu.memref_slice %arg10[%add3A_18, %dma_start3A_130] : memref<10240x128xf32, #tpu.memory_space<vmem_shared>> -> memref<128x128xf32, #tpu.memory_space<vmem_shared>>
      %dma_start3A_132 = arith.constant 0 : i32
      %dma_start3A_133 = tpu.memref_slice %arg10[%add3A_18, %dma_start3A_132] : memref<10240x128xf32, #tpu.memory_space<vmem_shared>> -> memref<128x128xf32, #tpu.memory_space<vmem_shared>>
      tpu.enqueue_dma source(%arg8 : memref<128x128xf32, #tpu.memory_space<vmem>>) target(%dma_start3A_133 : memref<128x128xf32, #tpu.memory_space<vmem_shared>>) target_semaphore(%run_scoped3A : memref<!tpu.dma_semaphore, #tpu.memory_space<semaphore_mem>>)
      %dma_wait3A_134 = arith.constant 0 : i32
      %dma_wait3A_135 = tpu.memref_slice %arg10[%add3A_18, %dma_wait3A_134] : memref<10240x128xf32, #tpu.memory_space<vmem_shared>> -> memref<128x128xf32, #tpu.memory_space<vmem_shared>>
      %dma_wait3A_136 = arith.constant 0 : i32
      %dma_wait3A_137 = tpu.memref_slice %arg10[%add3A_18, %dma_wait3A_136] : memref<10240x128xf32, #tpu.memory_space<vmem_shared>> -> memref<128x128xf32, #tpu.memory_space<vmem_shared>>
      tpu.wait_dma2 semaphore(%run_scoped3A : memref<!tpu.dma_semaphore, #tpu.memory_space<semaphore_mem>>) src(%arg8 : memref<128x128xf32, #tpu.memory_space<vmem>>) dst(%dma_wait3A_137 : memref<128x128xf32, #tpu.memory_space<vmem_shared>>)
      tpu.yield
    }) : () -> ()
    %mul3A_19 = arith.constant 640 : i32
    %mul3A_20 = arith.muli %arg1, %mul3A_19 : i32
    %add3A_21 = arith.constant 384 : i32
    %add3A_22 = arith.addi %mul3A_20, %add3A_21 : i32
    "tpu.region"() ({
      %run_scoped3A = tpu.sem_alloc : memref<!tpu.dma_semaphore, #tpu.memory_space<semaphore_mem>>
      %dma_start3A_130 = arith.constant 0 : i32
      %dma_start3A_131 = tpu.memref_slice %arg10[%add3A_22, %dma_start3A_130] : memref<10240x128xf32, #tpu.memory_space<vmem_shared>> -> memref<128x128xf32, #tpu.memory_space<vmem_shared>>
      %dma_start3A_132 = arith.constant 0 : i32
      %dma_start3A_133 = tpu.memref_slice %arg10[%add3A_22, %dma_start3A_132] : memref<10240x128xf32, #tpu.memory_space<vmem_shared>> -> memref<128x128xf32, #tpu.memory_space<vmem_shared>>
      tpu.enqueue_dma source(%arg8 : memref<128x128xf32, #tpu.memory_space<vmem>>) target(%dma_start3A_133 : memref<128x128xf32, #tpu.memory_space<vmem_shared>>) target_semaphore(%run_scoped3A : memref<!tpu.dma_semaphore, #tpu.memory_space<semaphore_mem>>)
      %dma_wait3A_134 = arith.constant 0 : i32
      %dma_wait3A_135 = tpu.memref_slice %arg10[%add3A_22, %dma_wait3A_134] : memref<10240x128xf32, #tpu.memory_space<vmem_shared>> -> memref<128x128xf32, #tpu.memory_space<vmem_shared>>
      %dma_wait3A_136 = arith.constant 0 : i32
      %dma_wait3A_137 = tpu.memref_slice %arg10[%add3A_22, %dma_wait3A_136] : memref<10240x128xf32, #tpu.memory_space<vmem_shared>> -> memref<128x128xf32, #tpu.memory_space<vmem_shared>>
      tpu.wait_dma2 semaphore(%run_scoped3A : memref<!tpu.dma_semaphore, #tpu.memory_space<semaphore_mem>>) src(%arg8 : memref<128x128xf32, #tpu.memory_space<vmem>>) dst(%dma_wait3A_137 : memref<128x128xf32, #tpu.memory_space<vmem_shared>>)
      tpu.yield
    }) : () -> ()
    %mul3A_23 = arith.constant 640 : i32
    %mul3A_24 = arith.muli %arg1, %mul3A_23 : i32
    %add3A_25 = arith.constant 512 : i32
    %add3A_26 = arith.addi %mul3A_24, %add3A_25 : i32
    "tpu.region"() ({
      %run_scoped3A = tpu.sem_alloc : memref<!tpu.dma_semaphore, #tpu.memory_space<semaphore_mem>>
      %dma_start3A_130 = arith.constant 0 : i32
      %dma_start3A_131 = tpu.memref_slice %arg10[%add3A_26, %dma_start3A_130] : memref<10240x128xf32, #tpu.memory_space<vmem_shared>> -> memref<128x128xf32, #tpu.memory_space<vmem_shared>>
      %dma_start3A_132 = arith.constant 0 : i32
      %dma_start3A_133 = tpu.memref_slice %arg10[%add3A_26, %dma_start3A_132] : memref<10240x128xf32, #tpu.memory_space<vmem_shared>> -> memref<128x128xf32, #tpu.memory_space<vmem_shared>>
      tpu.enqueue_dma source(%arg8 : memref<128x128xf32, #tpu.memory_space<vmem>>) target(%dma_start3A_133 : memref<128x128xf32, #tpu.memory_space<vmem_shared>>) target_semaphore(%run_scoped3A : memref<!tpu.dma_semaphore, #tpu.memory_space<semaphore_mem>>)
      %dma_wait3A_134 = arith.constant 0 : i32
      %dma_wait3A_135 = tpu.memref_slice %arg10[%add3A_26, %dma_wait3A_134] : memref<10240x128xf32, #tpu.memory_space<vmem_shared>> -> memref<128x128xf32, #tpu.memory_space<vmem_shared>>
      %dma_wait3A_136 = arith.constant 0 : i32
      %dma_wait3A_137 = tpu.memref_slice %arg10[%add3A_26, %dma_wait3A_136] : memref<10240x128xf32, #tpu.memory_space<vmem_shared>> -> memref<128x128xf32, #tpu.memory_space<vmem_shared>>
      tpu.wait_dma2 semaphore(%run_scoped3A : memref<!tpu.dma_semaphore, #tpu.memory_space<semaphore_mem>>) src(%arg8 : memref<128x128xf32, #tpu.memory_space<vmem>>) dst(%dma_wait3A_137 : memref<128x128xf32, #tpu.memory_space<vmem_shared>>)
      tpu.yield
    }) : () -> ()
    %barrier3A = arith.constant 0 : index
    tpu.barrier barrier_id(%barrier3A)
    %mul3A_27 = arith.constant 80 : i32
    %mul3A_28 = arith.muli %add3A, %mul3A_27 : i32
    %add3A_29 = arith.constant 0 : i32
    %add3A_30 = arith.addi %mul3A_28, %add3A_29 : i32
    "tpu.region"() ({
      %run_scoped3A = tpu.sem_alloc : memref<!tpu.dma_semaphore, #tpu.memory_space<semaphore_mem>>
      %dma_start3A_130 = arith.constant 0 : i32
      %dma_start3A_131 = tpu.memref_slice %arg3[%add3A_30, %dma_start3A_130] : memref<2560x128xi32, #tpu.memory_space<hbm>> -> memref<40x128xi32, #tpu.memory_space<hbm>>
      %dma_start3A_132 = arith.constant 0 : i32
      %dma_start3A_133 = tpu.memref_slice %arg3[%add3A_30, %dma_start3A_132] : memref<2560x128xi32, #tpu.memory_space<hbm>> -> memref<40x128xi32, #tpu.memory_space<hbm>>
      tpu.enqueue_dma source(%dma_start3A_133 : memref<40x128xi32, #tpu.memory_space<hbm>>) target(%arg6 : memref<40x128xi32, #tpu.memory_space<vmem>>) target_semaphore(%run_scoped3A : memref<!tpu.dma_semaphore, #tpu.memory_space<semaphore_mem>>)
      %dma_wait3A_134 = arith.constant 0 : i32
      %dma_wait3A_135 = tpu.memref_slice %arg3[%add3A_30, %dma_wait3A_134] : memref<2560x128xi32, #tpu.memory_space<hbm>> -> memref<40x128xi32, #tpu.memory_space<hbm>>
      %dma_wait3A_136 = arith.constant 0 : i32
      %dma_wait3A_137 = tpu.memref_slice %arg3[%add3A_30, %dma_wait3A_136] : memref<2560x128xi32, #tpu.memory_space<hbm>> -> memref<40x128xi32, #tpu.memory_space<hbm>>
      tpu.wait_dma2 semaphore(%run_scoped3A : memref<!tpu.dma_semaphore, #tpu.memory_space<semaphore_mem>>) src(%dma_wait3A_137 : memref<40x128xi32, #tpu.memory_space<hbm>>) dst(%arg6 : memref<40x128xi32, #tpu.memory_space<vmem>>)
      tpu.yield
    }) : () -> ()
    "tpu.region"() ({
      %run_scoped3A = tpu.sem_alloc : memref<!tpu.dma_semaphore, #tpu.memory_space<semaphore_mem>>
      %dma_start3A_130 = arith.constant 0 : i32
      %dma_start3A_131 = tpu.memref_slice %arg4[%add3A_30, %dma_start3A_130] : memref<2560x128xi32, #tpu.memory_space<hbm>> -> memref<40x128xi32, #tpu.memory_space<hbm>>
      %dma_start3A_132 = arith.constant 0 : i32
      %dma_start3A_133 = tpu.memref_slice %arg4[%add3A_30, %dma_start3A_132] : memref<2560x128xi32, #tpu.memory_space<hbm>> -> memref<40x128xi32, #tpu.memory_space<hbm>>
      tpu.enqueue_dma source(%dma_start3A_133 : memref<40x128xi32, #tpu.memory_space<hbm>>) target(%arg7 : memref<40x128xi32, #tpu.memory_space<vmem>>) target_semaphore(%run_scoped3A : memref<!tpu.dma_semaphore, #tpu.memory_space<semaphore_mem>>)
      %dma_wait3A_134 = arith.constant 0 : i32
      %dma_wait3A_135 = tpu.memref_slice %arg4[%add3A_30, %dma_wait3A_134] : memref<2560x128xi32, #tpu.memory_space<hbm>> -> memref<40x128xi32, #tpu.memory_space<hbm>>
      %dma_wait3A_136 = arith.constant 0 : i32
      %dma_wait3A_137 = tpu.memref_slice %arg4[%add3A_30, %dma_wait3A_136] : memref<2560x128xi32, #tpu.memory_space<hbm>> -> memref<40x128xi32, #tpu.memory_space<hbm>>
      tpu.wait_dma2 semaphore(%run_scoped3A : memref<!tpu.dma_semaphore, #tpu.memory_space<semaphore_mem>>) src(%dma_wait3A_137 : memref<40x128xi32, #tpu.memory_space<hbm>>) dst(%arg7 : memref<40x128xi32, #tpu.memory_space<vmem>>)
      tpu.yield
    }) : () -> ()
    %dma_start3A = arith.constant 0 : i32
    %dma_start3A_31 = arith.constant 0 : i32
    %dma_start3A_32 = tpu.memref_slice %arg6[%dma_start3A, %dma_start3A_31] : memref<40x128xi32, #tpu.memory_space<vmem>> -> memref<1x128xi32, #tpu.memory_space<vmem>>
    %dma_start3A_33 = tpu.memref_squeeze %dma_start3A_32 : memref<1x128xi32, #tpu.memory_space<vmem>> -> memref<128xi32, #tpu.memory_space<vmem>>
    %dma_start3A_34 = arith.constant 0 : i32
    %dma_start3A_35 = arith.constant 0 : i32
    %dma_start3A_36 = tpu.memref_slice %arg2[%dma_start3A_34, %dma_start3A_35] : memref<10000x128xf32, #tpu.memory_space<hbm>> -> memref<10000x128xf32, #tpu.memory_space<hbm>>
    tpu.enqueue_indirect_dma source(%dma_start3A_36 : memref<10000x128xf32, #tpu.memory_space<hbm>>) target(%arg8 : memref<128x128xf32, #tpu.memory_space<vmem>>) offsets(%dma_start3A_33 : memref<128xi32, #tpu.memory_space<vmem>>) semaphore(%arg11 : memref<!tpu.dma_semaphore, #tpu.memory_space<semaphore_mem>>)
    %scan3A_37 = arith.constant 0 : i32
    %scan3A_38 = arith.constant 0 : i32
    %scan3A_39 = arith.constant 20 : i32
    %scan3A_40 = arith.addi %scan3A_38, %scan3A_39 : i32
    %scan3A_41 = arith.constant 1 : i32
    scf.for %scan3A_130 = %scan3A_38 to %scan3A_40 step %scan3A_41  : i32 {
      %mul3A_131 = arith.constant 2 : i32
      %mul3A_132 = arith.muli %mul3A_131, %scan3A_130 : i32
      %add3A_133 = arith.constant 1 : i32
      %add3A_134 = arith.addi %mul3A_132, %add3A_133 : i32
      %dma_start3A_135 = arith.constant 0 : i32
      %dma_start3A_136 = tpu.memref_slice %arg6[%add3A_134, %dma_start3A_135] : memref<40x128xi32, #tpu.memory_space<vmem>> -> memref<1x128xi32, #tpu.memory_space<vmem>>
      %dma_start3A_137 = tpu.memref_squeeze %dma_start3A_136 : memref<1x128xi32, #tpu.memory_space<vmem>> -> memref<128xi32, #tpu.memory_space<vmem>>
      %dma_start3A_138 = arith.constant 0 : i32
      %dma_start3A_139 = arith.constant 0 : i32
      %dma_start3A_140 = tpu.memref_slice %arg2[%dma_start3A_138, %dma_start3A_139] : memref<10000x128xf32, #tpu.memory_space<hbm>> -> memref<10000x128xf32, #tpu.memory_space<hbm>>
      tpu.enqueue_indirect_dma source(%dma_start3A_140 : memref<10000x128xf32, #tpu.memory_space<hbm>>) target(%arg9 : memref<128x128xf32, #tpu.memory_space<vmem>>) offsets(%dma_start3A_137 : memref<128xi32, #tpu.memory_space<vmem>>) semaphore(%arg12 : memref<!tpu.dma_semaphore, #tpu.memory_space<semaphore_mem>>)
      %dma_wait3A_141 = arith.constant 0 : i32
      %dma_wait3A_142 = tpu.memref_slice %arg6[%mul3A_132, %dma_wait3A_141] : memref<40x128xi32, #tpu.memory_space<vmem>> -> memref<1x128xi32, #tpu.memory_space<vmem>>
      %dma_wait3A_143 = tpu.memref_squeeze %dma_wait3A_142 : memref<1x128xi32, #tpu.memory_space<vmem>> -> memref<128xi32, #tpu.memory_space<vmem>>
      %dma_wait3A_144 = arith.constant 0 : i32
      %dma_wait3A_145 = arith.constant 0 : i32
      %dma_wait3A_146 = tpu.memref_slice %arg2[%dma_wait3A_144, %dma_wait3A_145] : memref<10000x128xf32, #tpu.memory_space<hbm>> -> memref<10000x128xf32, #tpu.memory_space<hbm>>
      tpu.wait_indirect_dma semaphore(%arg11 : memref<!tpu.dma_semaphore, #tpu.memory_space<semaphore_mem>>) src(%dma_wait3A_146 : memref<10000x128xf32, #tpu.memory_space<hbm>>) dst(%arg8 : memref<128x128xf32, #tpu.memory_space<vmem>>)
      "tpu.region"() ({
        %run_scoped3A = tpu.sem_alloc : memref<!tpu.dma_semaphore, #tpu.memory_space<semaphore_mem>>
        %dma_start3A_157 = arith.constant 0 : i32
        %dma_start3A_158 = tpu.memref_slice %arg7[%mul3A_132, %dma_start3A_157] : memref<40x128xi32, #tpu.memory_space<vmem>> -> memref<1x128xi32, #tpu.memory_space<vmem>>
        %dma_start3A_159 = tpu.memref_squeeze %dma_start3A_158 : memref<1x128xi32, #tpu.memory_space<vmem>> -> memref<128xi32, #tpu.memory_space<vmem>>
        %dma_start3A_160 = arith.constant 0 : i32
        %dma_start3A_161 = arith.constant 0 : i32
        %dma_start3A_162 = tpu.memref_slice %arg10[%dma_start3A_160, %dma_start3A_161] : memref<10240x128xf32, #tpu.memory_space<vmem_shared>> -> memref<10240x128xf32, #tpu.memory_space<vmem_shared>>
        tpu.enqueue_indirect_dma source(%arg8 : memref<128x128xf32, #tpu.memory_space<vmem>>) target(%dma_start3A_162 : memref<10240x128xf32, #tpu.memory_space<vmem_shared>>) offsets(%dma_start3A_159 : memref<128xi32, #tpu.memory_space<vmem>>) semaphore(%run_scoped3A : memref<!tpu.dma_semaphore, #tpu.memory_space<semaphore_mem>>) {add = true}
        %dma_wait3A_163 = arith.constant 0 : i32
        %dma_wait3A_164 = tpu.memref_slice %arg7[%mul3A_132, %dma_wait3A_163] : memref<40x128xi32, #tpu.memory_space<vmem>> -> memref<1x128xi32, #tpu.memory_space<vmem>>
        %dma_wait3A_165 = tpu.memref_squeeze %dma_wait3A_164 : memref<1x128xi32, #tpu.memory_space<vmem>> -> memref<128xi32, #tpu.memory_space<vmem>>
        %dma_wait3A_166 = arith.constant 0 : i32
        %dma_wait3A_167 = arith.constant 0 : i32
        %dma_wait3A_168 = tpu.memref_slice %arg10[%dma_wait3A_166, %dma_wait3A_167] : memref<10240x128xf32, #tpu.memory_space<vmem_shared>> -> memref<10240x128xf32, #tpu.memory_space<vmem_shared>>
        tpu.wait_indirect_dma semaphore(%run_scoped3A : memref<!tpu.dma_semaphore, #tpu.memory_space<semaphore_mem>>) src(%arg8 : memref<128x128xf32, #tpu.memory_space<vmem>>) dst(%dma_wait3A_168 : memref<10240x128xf32, #tpu.memory_space<vmem_shared>>)
        tpu.yield
      }) : () -> ()
      %add3A_147 = arith.constant 2 : i32
      %add3A_148 = arith.addi %mul3A_132, %add3A_147 : i32
      %lt3A = arith.constant 40 : i32
      %lt3A_149 = arith.cmpi slt, %add3A_148, %lt3A : i32
      %convert_element_type3A = arith.extui %lt3A_149 : i1 to i32
      %cond3A = arith.constant 0 : i32
      %cond3A_150 = arith.cmpi ne, %convert_element_type3A, %cond3A : i32
      scf.if %cond3A_150 {
        %add3A_157 = arith.constant 2 : i32
        %add3A_158 = arith.addi %mul3A_132, %add3A_157 : i32
        %dma_start3A_159 = arith.constant 0 : i32
        %dma_start3A_160 = tpu.memref_slice %arg6[%add3A_158, %dma_start3A_159] : memref<40x128xi32, #tpu.memory_space<vmem>> -> memref<1x128xi32, #tpu.memory_space<vmem>>
        %dma_start3A_161 = tpu.memref_squeeze %dma_start3A_160 : memref<1x128xi32, #tpu.memory_space<vmem>> -> memref<128xi32, #tpu.memory_space<vmem>>
        %dma_start3A_162 = arith.constant 0 : i32
        %dma_start3A_163 = arith.constant 0 : i32
        %dma_start3A_164 = tpu.memref_slice %arg2[%dma_start3A_162, %dma_start3A_163] : memref<10000x128xf32, #tpu.memory_space<hbm>> -> memref<10000x128xf32, #tpu.memory_space<hbm>>
        tpu.enqueue_indirect_dma source(%dma_start3A_164 : memref<10000x128xf32, #tpu.memory_space<hbm>>) target(%arg8 : memref<128x128xf32, #tpu.memory_space<vmem>>) offsets(%dma_start3A_161 : memref<128xi32, #tpu.memory_space<vmem>>) semaphore(%arg11 : memref<!tpu.dma_semaphore, #tpu.memory_space<semaphore_mem>>)
      } else {
      }
      %dma_wait3A_151 = arith.constant 0 : i32
      %dma_wait3A_152 = tpu.memref_slice %arg6[%add3A_134, %dma_wait3A_151] : memref<40x128xi32, #tpu.memory_space<vmem>> -> memref<1x128xi32, #tpu.memory_space<vmem>>
      %dma_wait3A_153 = tpu.memref_squeeze %dma_wait3A_152 : memref<1x128xi32, #tpu.memory_space<vmem>> -> memref<128xi32, #tpu.memory_space<vmem>>
      %dma_wait3A_154 = arith.constant 0 : i32
      %dma_wait3A_155 = arith.constant 0 : i32
      %dma_wait3A_156 = tpu.memref_slice %arg2[%dma_wait3A_154, %dma_wait3A_155] : memref<10000x128xf32, #tpu.memory_space<hbm>> -> memref<10000x128xf32, #tpu.memory_space<hbm>>
      tpu.wait_indirect_dma semaphore(%arg12 : memref<!tpu.dma_semaphore, #tpu.memory_space<semaphore_mem>>) src(%dma_wait3A_156 : memref<10000x128xf32, #tpu.memory_space<hbm>>) dst(%arg9 : memref<128x128xf32, #tpu.memory_space<vmem>>)
      "tpu.region"() ({
        %run_scoped3A = tpu.sem_alloc : memref<!tpu.dma_semaphore, #tpu.memory_space<semaphore_mem>>
        %dma_start3A_157 = arith.constant 0 : i32
        %dma_start3A_158 = tpu.memref_slice %arg7[%add3A_134, %dma_start3A_157] : memref<40x128xi32, #tpu.memory_space<vmem>> -> memref<1x128xi32, #tpu.memory_space<vmem>>
        %dma_start3A_159 = tpu.memref_squeeze %dma_start3A_158 : memref<1x128xi32, #tpu.memory_space<vmem>> -> memref<128xi32, #tpu.memory_space<vmem>>
        %dma_start3A_160 = arith.constant 0 : i32
        %dma_start3A_161 = arith.constant 0 : i32
        %dma_start3A_162 = tpu.memref_slice %arg10[%dma_start3A_160, %dma_start3A_161] : memref<10240x128xf32, #tpu.memory_space<vmem_shared>> -> memref<10240x128xf32, #tpu.memory_space<vmem_shared>>
        tpu.enqueue_indirect_dma source(%arg9 : memref<128x128xf32, #tpu.memory_space<vmem>>) target(%dma_start3A_162 : memref<10240x128xf32, #tpu.memory_space<vmem_shared>>) offsets(%dma_start3A_159 : memref<128xi32, #tpu.memory_space<vmem>>) semaphore(%run_scoped3A : memref<!tpu.dma_semaphore, #tpu.memory_space<semaphore_mem>>) {add = true}
        %dma_wait3A_163 = arith.constant 0 : i32
        %dma_wait3A_164 = tpu.memref_slice %arg7[%add3A_134, %dma_wait3A_163] : memref<40x128xi32, #tpu.memory_space<vmem>> -> memref<1x128xi32, #tpu.memory_space<vmem>>
        %dma_wait3A_165 = tpu.memref_squeeze %dma_wait3A_164 : memref<1x128xi32, #tpu.memory_space<vmem>> -> memref<128xi32, #tpu.memory_space<vmem>>
        %dma_wait3A_166 = arith.constant 0 : i32
        %dma_wait3A_167 = arith.constant 0 : i32
        %dma_wait3A_168 = tpu.memref_slice %arg10[%dma_wait3A_166, %dma_wait3A_167] : memref<10240x128xf32, #tpu.memory_space<vmem_shared>> -> memref<10240x128xf32, #tpu.memory_space<vmem_shared>>
        tpu.wait_indirect_dma semaphore(%run_scoped3A : memref<!tpu.dma_semaphore, #tpu.memory_space<semaphore_mem>>) src(%arg9 : memref<128x128xf32, #tpu.memory_space<vmem>>) dst(%dma_wait3A_168 : memref<10240x128xf32, #tpu.memory_space<vmem_shared>>)
        tpu.yield
      }) : () -> ()
    }
    %scan3A_42 = arith.constant 20 : i32
    %mul3A_43 = arith.constant 80 : i32
    %mul3A_44 = arith.muli %add3A, %mul3A_43 : i32
    %add3A_45 = arith.constant 40 : i32
    %add3A_46 = arith.addi %mul3A_44, %add3A_45 : i32
    "tpu.region"() ({
      %run_scoped3A = tpu.sem_alloc : memref<!tpu.dma_semaphore, #tpu.memory_space<semaphore_mem>>
      %dma_start3A_130 = arith.constant 0 : i32
      %dma_start3A_131 = tpu.memref_slice %arg3[%add3A_46, %dma_start3A_130] : memref<2560x128xi32, #tpu.memory_space<hbm>> -> memref<40x128xi32, #tpu.memory_space<hbm>>
      %dma_start3A_132 = arith.constant 0 : i32
      %dma_start3A_133 = tpu.memref_slice %arg3[%add3A_46, %dma_start3A_132] : memref<2560x128xi32, #tpu.memory_space<hbm>> -> memref<40x128xi32, #tpu.memory_space<hbm>>
      tpu.enqueue_dma source(%dma_start3A_133 : memref<40x128xi32, #tpu.memory_space<hbm>>) target(%arg6 : memref<40x128xi32, #tpu.memory_space<vmem>>) target_semaphore(%run_scoped3A : memref<!tpu.dma_semaphore, #tpu.memory_space<semaphore_mem>>)
      %dma_wait3A_134 = arith.constant 0 : i32
      %dma_wait3A_135 = tpu.memref_slice %arg3[%add3A_46, %dma_wait3A_134] : memref<2560x128xi32, #tpu.memory_space<hbm>> -> memref<40x128xi32, #tpu.memory_space<hbm>>
      %dma_wait3A_136 = arith.constant 0 : i32
      %dma_wait3A_137 = tpu.memref_slice %arg3[%add3A_46, %dma_wait3A_136] : memref<2560x128xi32, #tpu.memory_space<hbm>> -> memref<40x128xi32, #tpu.memory_space<hbm>>
      tpu.wait_dma2 semaphore(%run_scoped3A : memref<!tpu.dma_semaphore, #tpu.memory_space<semaphore_mem>>) src(%dma_wait3A_137 : memref<40x128xi32, #tpu.memory_space<hbm>>) dst(%arg6 : memref<40x128xi32, #tpu.memory_space<vmem>>)
      tpu.yield
    }) : () -> ()
    "tpu.region"() ({
      %run_scoped3A = tpu.sem_alloc : memref<!tpu.dma_semaphore, #tpu.memory_space<semaphore_mem>>
      %dma_start3A_130 = arith.constant 0 : i32
      %dma_start3A_131 = tpu.memref_slice %arg4[%add3A_46, %dma_start3A_130] : memref<2560x128xi32, #tpu.memory_space<hbm>> -> memref<40x128xi32, #tpu.memory_space<hbm>>
      %dma_start3A_132 = arith.constant 0 : i32
      %dma_start3A_133 = tpu.memref_slice %arg4[%add3A_46, %dma_start3A_132] : memref<2560x128xi32, #tpu.memory_space<hbm>> -> memref<40x128xi32, #tpu.memory_space<hbm>>
      tpu.enqueue_dma source(%dma_start3A_133 : memref<40x128xi32, #tpu.memory_space<hbm>>) target(%arg7 : memref<40x128xi32, #tpu.memory_space<vmem>>) target_semaphore(%run_scoped3A : memref<!tpu.dma_semaphore, #tpu.memory_space<semaphore_mem>>)
      %dma_wait3A_134 = arith.constant 0 : i32
      %dma_wait3A_135 = tpu.memref_slice %arg4[%add3A_46, %dma_wait3A_134] : memref<2560x128xi32, #tpu.memory_space<hbm>> -> memref<40x128xi32, #tpu.memory_space<hbm>>
      %dma_wait3A_136 = arith.constant 0 : i32
      %dma_wait3A_137 = tpu.memref_slice %arg4[%add3A_46, %dma_wait3A_136] : memref<2560x128xi32, #tpu.memory_space<hbm>> -> memref<40x128xi32, #tpu.memory_space<hbm>>
      tpu.wait_dma2 semaphore(%run_scoped3A : memref<!tpu.dma_semaphore, #tpu.memory_space<semaphore_mem>>) src(%dma_wait3A_137 : memref<40x128xi32, #tpu.memory_space<hbm>>) dst(%arg7 : memref<40x128xi32, #tpu.memory_space<vmem>>)
      tpu.yield
    }) : () -> ()
    %dma_start3A_47 = arith.constant 0 : i32
    %dma_start3A_48 = arith.constant 0 : i32
    %dma_start3A_49 = tpu.memref_slice %arg6[%dma_start3A_47, %dma_start3A_48] : memref<40x128xi32, #tpu.memory_space<vmem>> -> memref<1x128xi32, #tpu.memory_space<vmem>>
    %dma_start3A_50 = tpu.memref_squeeze %dma_start3A_49 : memref<1x128xi32, #tpu.memory_space<vmem>> -> memref<128xi32, #tpu.memory_space<vmem>>
    %dma_start3A_51 = arith.constant 0 : i32
    %dma_start3A_52 = arith.constant 0 : i32
    %dma_start3A_53 = tpu.memref_slice %arg2[%dma_start3A_51, %dma_start3A_52] : memref<10000x128xf32, #tpu.memory_space<hbm>> -> memref<10000x128xf32, #tpu.memory_space<hbm>>
    tpu.enqueue_indirect_dma source(%dma_start3A_53 : memref<10000x128xf32, #tpu.memory_space<hbm>>) target(%arg8 : memref<128x128xf32, #tpu.memory_space<vmem>>) offsets(%dma_start3A_50 : memref<128xi32, #tpu.memory_space<vmem>>) semaphore(%arg11 : memref<!tpu.dma_semaphore, #tpu.memory_space<semaphore_mem>>)
    %scan3A_54 = arith.constant 0 : i32
    %scan3A_55 = arith.constant 0 : i32
    %scan3A_56 = arith.constant 20 : i32
    %scan3A_57 = arith.addi %scan3A_55, %scan3A_56 : i32
    %scan3A_58 = arith.constant 1 : i32
    scf.for %scan3A_130 = %scan3A_55 to %scan3A_57 step %scan3A_58  : i32 {
      %mul3A_131 = arith.constant 2 : i32
      %mul3A_132 = arith.muli %mul3A_131, %scan3A_130 : i32
      %add3A_133 = arith.constant 1 : i32
      %add3A_134 = arith.addi %mul3A_132, %add3A_133 : i32
      %dma_start3A_135 = arith.constant 0 : i32
      %dma_start3A_136 = tpu.memref_slice %arg6[%add3A_134, %dma_start3A_135] : memref<40x128xi32, #tpu.memory_space<vmem>> -> memref<1x128xi32, #tpu.memory_space<vmem>>
      %dma_start3A_137 = tpu.memref_squeeze %dma_start3A_136 : memref<1x128xi32, #tpu.memory_space<vmem>> -> memref<128xi32, #tpu.memory_space<vmem>>
      %dma_start3A_138 = arith.constant 0 : i32
      %dma_start3A_139 = arith.constant 0 : i32
      %dma_start3A_140 = tpu.memref_slice %arg2[%dma_start3A_138, %dma_start3A_139] : memref<10000x128xf32, #tpu.memory_space<hbm>> -> memref<10000x128xf32, #tpu.memory_space<hbm>>
      tpu.enqueue_indirect_dma source(%dma_start3A_140 : memref<10000x128xf32, #tpu.memory_space<hbm>>) target(%arg9 : memref<128x128xf32, #tpu.memory_space<vmem>>) offsets(%dma_start3A_137 : memref<128xi32, #tpu.memory_space<vmem>>) semaphore(%arg12 : memref<!tpu.dma_semaphore, #tpu.memory_space<semaphore_mem>>)
      %dma_wait3A_141 = arith.constant 0 : i32
      %dma_wait3A_142 = tpu.memref_slice %arg6[%mul3A_132, %dma_wait3A_141] : memref<40x128xi32, #tpu.memory_space<vmem>> -> memref<1x128xi32, #tpu.memory_space<vmem>>
      %dma_wait3A_143 = tpu.memref_squeeze %dma_wait3A_142 : memref<1x128xi32, #tpu.memory_space<vmem>> -> memref<128xi32, #tpu.memory_space<vmem>>
      %dma_wait3A_144 = arith.constant 0 : i32
      %dma_wait3A_145 = arith.constant 0 : i32
      %dma_wait3A_146 = tpu.memref_slice %arg2[%dma_wait3A_144, %dma_wait3A_145] : memref<10000x128xf32, #tpu.memory_space<hbm>> -> memref<10000x128xf32, #tpu.memory_space<hbm>>
      tpu.wait_indirect_dma semaphore(%arg11 : memref<!tpu.dma_semaphore, #tpu.memory_space<semaphore_mem>>) src(%dma_wait3A_146 : memref<10000x128xf32, #tpu.memory_space<hbm>>) dst(%arg8 : memref<128x128xf32, #tpu.memory_space<vmem>>)
      "tpu.region"() ({
        %run_scoped3A = tpu.sem_alloc : memref<!tpu.dma_semaphore, #tpu.memory_space<semaphore_mem>>
        %dma_start3A_157 = arith.constant 0 : i32
        %dma_start3A_158 = tpu.memref_slice %arg7[%mul3A_132, %dma_start3A_157] : memref<40x128xi32, #tpu.memory_space<vmem>> -> memref<1x128xi32, #tpu.memory_space<vmem>>
        %dma_start3A_159 = tpu.memref_squeeze %dma_start3A_158 : memref<1x128xi32, #tpu.memory_space<vmem>> -> memref<128xi32, #tpu.memory_space<vmem>>
        %dma_start3A_160 = arith.constant 0 : i32
        %dma_start3A_161 = arith.constant 0 : i32
        %dma_start3A_162 = tpu.memref_slice %arg10[%dma_start3A_160, %dma_start3A_161] : memref<10240x128xf32, #tpu.memory_space<vmem_shared>> -> memref<10240x128xf32, #tpu.memory_space<vmem_shared>>
        tpu.enqueue_indirect_dma source(%arg8 : memref<128x128xf32, #tpu.memory_space<vmem>>) target(%dma_start3A_162 : memref<10240x128xf32, #tpu.memory_space<vmem_shared>>) offsets(%dma_start3A_159 : memref<128xi32, #tpu.memory_space<vmem>>) semaphore(%run_scoped3A : memref<!tpu.dma_semaphore, #tpu.memory_space<semaphore_mem>>) {add = true}
        %dma_wait3A_163 = arith.constant 0 : i32
        %dma_wait3A_164 = tpu.memref_slice %arg7[%mul3A_132, %dma_wait3A_163] : memref<40x128xi32, #tpu.memory_space<vmem>> -> memref<1x128xi32, #tpu.memory_space<vmem>>
        %dma_wait3A_165 = tpu.memref_squeeze %dma_wait3A_164 : memref<1x128xi32, #tpu.memory_space<vmem>> -> memref<128xi32, #tpu.memory_space<vmem>>
        %dma_wait3A_166 = arith.constant 0 : i32
        %dma_wait3A_167 = arith.constant 0 : i32
        %dma_wait3A_168 = tpu.memref_slice %arg10[%dma_wait3A_166, %dma_wait3A_167] : memref<10240x128xf32, #tpu.memory_space<vmem_shared>> -> memref<10240x128xf32, #tpu.memory_space<vmem_shared>>
        tpu.wait_indirect_dma semaphore(%run_scoped3A : memref<!tpu.dma_semaphore, #tpu.memory_space<semaphore_mem>>) src(%arg8 : memref<128x128xf32, #tpu.memory_space<vmem>>) dst(%dma_wait3A_168 : memref<10240x128xf32, #tpu.memory_space<vmem_shared>>)
        tpu.yield
      }) : () -> ()
      %add3A_147 = arith.constant 2 : i32
      %add3A_148 = arith.addi %mul3A_132, %add3A_147 : i32
      %lt3A = arith.constant 40 : i32
      %lt3A_149 = arith.cmpi slt, %add3A_148, %lt3A : i32
      %convert_element_type3A = arith.extui %lt3A_149 : i1 to i32
      %cond3A = arith.constant 0 : i32
      %cond3A_150 = arith.cmpi ne, %convert_element_type3A, %cond3A : i32
      scf.if %cond3A_150 {
        %add3A_157 = arith.constant 2 : i32
        %add3A_158 = arith.addi %mul3A_132, %add3A_157 : i32
        %dma_start3A_159 = arith.constant 0 : i32
        %dma_start3A_160 = tpu.memref_slice %arg6[%add3A_158, %dma_start3A_159] : memref<40x128xi32, #tpu.memory_space<vmem>> -> memref<1x128xi32, #tpu.memory_space<vmem>>
        %dma_start3A_161 = tpu.memref_squeeze %dma_start3A_160 : memref<1x128xi32, #tpu.memory_space<vmem>> -> memref<128xi32, #tpu.memory_space<vmem>>
        %dma_start3A_162 = arith.constant 0 : i32
        %dma_start3A_163 = arith.constant 0 : i32
        %dma_start3A_164 = tpu.memref_slice %arg2[%dma_start3A_162, %dma_start3A_163] : memref<10000x128xf32, #tpu.memory_space<hbm>> -> memref<10000x128xf32, #tpu.memory_space<hbm>>
        tpu.enqueue_indirect_dma source(%dma_start3A_164 : memref<10000x128xf32, #tpu.memory_space<hbm>>) target(%arg8 : memref<128x128xf32, #tpu.memory_space<vmem>>) offsets(%dma_start3A_161 : memref<128xi32, #tpu.memory_space<vmem>>) semaphore(%arg11 : memref<!tpu.dma_semaphore, #tpu.memory_space<semaphore_mem>>)
      } else {
      }
      %dma_wait3A_151 = arith.constant 0 : i32
      %dma_wait3A_152 = tpu.memref_slice %arg6[%add3A_134, %dma_wait3A_151] : memref<40x128xi32, #tpu.memory_space<vmem>> -> memref<1x128xi32, #tpu.memory_space<vmem>>
      %dma_wait3A_153 = tpu.memref_squeeze %dma_wait3A_152 : memref<1x128xi32, #tpu.memory_space<vmem>> -> memref<128xi32, #tpu.memory_space<vmem>>
      %dma_wait3A_154 = arith.constant 0 : i32
      %dma_wait3A_155 = arith.constant 0 : i32
      %dma_wait3A_156 = tpu.memref_slice %arg2[%dma_wait3A_154, %dma_wait3A_155] : memref<10000x128xf32, #tpu.memory_space<hbm>> -> memref<10000x128xf32, #tpu.memory_space<hbm>>
      tpu.wait_indirect_dma semaphore(%arg12 : memref<!tpu.dma_semaphore, #tpu.memory_space<semaphore_mem>>) src(%dma_wait3A_156 : memref<10000x128xf32, #tpu.memory_space<hbm>>) dst(%arg9 : memref<128x128xf32, #tpu.memory_space<vmem>>)
      "tpu.region"() ({
        %run_scoped3A = tpu.sem_alloc : memref<!tpu.dma_semaphore, #tpu.memory_space<semaphore_mem>>
        %dma_start3A_157 = arith.constant 0 : i32
        %dma_start3A_158 = tpu.memref_slice %arg7[%add3A_134, %dma_start3A_157] : memref<40x128xi32, #tpu.memory_space<vmem>> -> memref<1x128xi32, #tpu.memory_space<vmem>>
        %dma_start3A_159 = tpu.memref_squeeze %dma_start3A_158 : memref<1x128xi32, #tpu.memory_space<vmem>> -> memref<128xi32, #tpu.memory_space<vmem>>
        %dma_start3A_160 = arith.constant 0 : i32
        %dma_start3A_161 = arith.constant 0 : i32
        %dma_start3A_162 = tpu.memref_slice %arg10[%dma_start3A_160, %dma_start3A_161] : memref<10240x128xf32, #tpu.memory_space<vmem_shared>> -> memref<10240x128xf32, #tpu.memory_space<vmem_shared>>
        tpu.enqueue_indirect_dma source(%arg9 : memref<128x128xf32, #tpu.memory_space<vmem>>) target(%dma_start3A_162 : memref<10240x128xf32, #tpu.memory_space<vmem_shared>>) offsets(%dma_start3A_159 : memref<128xi32, #tpu.memory_space<vmem>>) semaphore(%run_scoped3A : memref<!tpu.dma_semaphore, #tpu.memory_space<semaphore_mem>>) {add = true}
        %dma_wait3A_163 = arith.constant 0 : i32
        %dma_wait3A_164 = tpu.memref_slice %arg7[%add3A_134, %dma_wait3A_163] : memref<40x128xi32, #tpu.memory_space<vmem>> -> memref<1x128xi32, #tpu.memory_space<vmem>>
        %dma_wait3A_165 = tpu.memref_squeeze %dma_wait3A_164 : memref<1x128xi32, #tpu.memory_space<vmem>> -> memref<128xi32, #tpu.memory_space<vmem>>
        %dma_wait3A_166 = arith.constant 0 : i32
        %dma_wait3A_167 = arith.constant 0 : i32
        %dma_wait3A_168 = tpu.memref_slice %arg10[%dma_wait3A_166, %dma_wait3A_167] : memref<10240x128xf32, #tpu.memory_space<vmem_shared>> -> memref<10240x128xf32, #tpu.memory_space<vmem_shared>>
        tpu.wait_indirect_dma semaphore(%run_scoped3A : memref<!tpu.dma_semaphore, #tpu.memory_space<semaphore_mem>>) src(%arg9 : memref<128x128xf32, #tpu.memory_space<vmem>>) dst(%dma_wait3A_168 : memref<10240x128xf32, #tpu.memory_space<vmem_shared>>)
        tpu.yield
      }) : () -> ()
    }
    %scan3A_59 = arith.constant 20 : i32
    %barrier3A_60 = arith.constant 0 : index
    tpu.barrier barrier_id(%barrier3A_60)
    %mul3A_61 = arith.constant 640 : i32
    %mul3A_62 = arith.muli %arg1, %mul3A_61 : i32
    %dma_start3A_63 = arith.constant 0 : i32
    %dma_start3A_64 = tpu.memref_slice %arg10[%mul3A_62, %dma_start3A_63] : memref<10240x128xf32, #tpu.memory_space<vmem_shared>> -> memref<128x128xf32, #tpu.memory_space<vmem_shared>>
    %dma_start3A_65 = arith.constant 0 : i32
    %dma_start3A_66 = tpu.memref_slice %arg10[%mul3A_62, %dma_start3A_65] : memref<10240x128xf32, #tpu.memory_space<vmem_shared>> -> memref<128x128xf32, #tpu.memory_space<vmem_shared>>
    tpu.enqueue_dma source(%dma_start3A_66 : memref<128x128xf32, #tpu.memory_space<vmem_shared>>) target(%arg8 : memref<128x128xf32, #tpu.memory_space<vmem>>) target_semaphore(%arg11 : memref<!tpu.dma_semaphore, #tpu.memory_space<semaphore_mem>>)
    %mul3A_67 = arith.constant 640 : i32
    %mul3A_68 = arith.muli %arg1, %mul3A_67 : i32
    %add3A_69 = arith.constant 0 : i32
    %add3A_70 = arith.addi %mul3A_68, %add3A_69 : i32
    %dma_wait3A = arith.constant 0 : i32
    %dma_wait3A_71 = tpu.memref_slice %arg10[%add3A_70, %dma_wait3A] : memref<10240x128xf32, #tpu.memory_space<vmem_shared>> -> memref<128x128xf32, #tpu.memory_space<vmem_shared>>
    %dma_wait3A_72 = arith.constant 0 : i32
    %dma_wait3A_73 = tpu.memref_slice %arg10[%add3A_70, %dma_wait3A_72] : memref<10240x128xf32, #tpu.memory_space<vmem_shared>> -> memref<128x128xf32, #tpu.memory_space<vmem_shared>>
    tpu.wait_dma2 semaphore(%arg11 : memref<!tpu.dma_semaphore, #tpu.memory_space<semaphore_mem>>) src(%dma_wait3A_73 : memref<128x128xf32, #tpu.memory_space<vmem_shared>>) dst(%arg8 : memref<128x128xf32, #tpu.memory_space<vmem>>)
    %add3A_74 = arith.constant 128 : i32
    %add3A_75 = arith.addi %add3A_70, %add3A_74 : i32
    %dma_start3A_76 = arith.constant 0 : i32
    %dma_start3A_77 = tpu.memref_slice %arg10[%add3A_75, %dma_start3A_76] : memref<10240x128xf32, #tpu.memory_space<vmem_shared>> -> memref<128x128xf32, #tpu.memory_space<vmem_shared>>
    %dma_start3A_78 = arith.constant 0 : i32
    %dma_start3A_79 = tpu.memref_slice %arg10[%add3A_75, %dma_start3A_78] : memref<10240x128xf32, #tpu.memory_space<vmem_shared>> -> memref<128x128xf32, #tpu.memory_space<vmem_shared>>
    tpu.enqueue_dma source(%dma_start3A_79 : memref<128x128xf32, #tpu.memory_space<vmem_shared>>) target(%arg9 : memref<128x128xf32, #tpu.memory_space<vmem>>) target_semaphore(%arg11 : memref<!tpu.dma_semaphore, #tpu.memory_space<semaphore_mem>>)
    "tpu.region"() ({
      %run_scoped3A = tpu.sem_alloc : memref<!tpu.dma_semaphore, #tpu.memory_space<semaphore_mem>>
      %dma_start3A_130 = arith.constant 0 : i32
      %dma_start3A_131 = tpu.memref_slice %arg5[%arg0, %add3A_70, %dma_start3A_130] : memref<2x10240x128xf32, #tpu.memory_space<hbm>> -> memref<1x128x128xf32, #tpu.memory_space<hbm>>
      %dma_start3A_132 = tpu.memref_squeeze %dma_start3A_131 : memref<1x128x128xf32, #tpu.memory_space<hbm>> -> memref<128x128xf32, #tpu.memory_space<hbm>>
      %dma_start3A_133 = arith.constant 0 : i32
      %dma_start3A_134 = tpu.memref_slice %arg5[%arg0, %add3A_70, %dma_start3A_133] : memref<2x10240x128xf32, #tpu.memory_space<hbm>> -> memref<1x128x128xf32, #tpu.memory_space<hbm>>
      %dma_start3A_135 = tpu.memref_squeeze %dma_start3A_134 : memref<1x128x128xf32, #tpu.memory_space<hbm>> -> memref<128x128xf32, #tpu.memory_space<hbm>>
      tpu.enqueue_dma source(%arg8 : memref<128x128xf32, #tpu.memory_space<vmem>>) target(%dma_start3A_135 : memref<128x128xf32, #tpu.memory_space<hbm>>) target_semaphore(%run_scoped3A : memref<!tpu.dma_semaphore, #tpu.memory_space<semaphore_mem>>)
      %dma_wait3A_136 = arith.constant 0 : i32
      %dma_wait3A_137 = tpu.memref_slice %arg5[%arg0, %add3A_70, %dma_wait3A_136] : memref<2x10240x128xf32, #tpu.memory_space<hbm>> -> memref<1x128x128xf32, #tpu.memory_space<hbm>>
      %dma_wait3A_138 = tpu.memref_squeeze %dma_wait3A_137 : memref<1x128x128xf32, #tpu.memory_space<hbm>> -> memref<128x128xf32, #tpu.memory_space<hbm>>
      %dma_wait3A_139 = arith.constant 0 : i32
      %dma_wait3A_140 = tpu.memref_slice %arg5[%arg0, %add3A_70, %dma_wait3A_139] : memref<2x10240x128xf32, #tpu.memory_space<hbm>> -> memref<1x128x128xf32, #tpu.memory_space<hbm>>
      %dma_wait3A_141 = tpu.memref_squeeze %dma_wait3A_140 : memref<1x128x128xf32, #tpu.memory_space<hbm>> -> memref<128x128xf32, #tpu.memory_space<hbm>>
      tpu.wait_dma2 semaphore(%run_scoped3A : memref<!tpu.dma_semaphore, #tpu.memory_space<semaphore_mem>>) src(%arg8 : memref<128x128xf32, #tpu.memory_space<vmem>>) dst(%dma_wait3A_141 : memref<128x128xf32, #tpu.memory_space<hbm>>)
      tpu.yield
    }) : () -> ()
    %mul3A_80 = arith.constant 640 : i32
    %mul3A_81 = arith.muli %arg1, %mul3A_80 : i32
    %add3A_82 = arith.constant 128 : i32
    %add3A_83 = arith.addi %mul3A_81, %add3A_82 : i32
    %dma_wait3A_84 = arith.constant 0 : i32
    %dma_wait3A_85 = tpu.memref_slice %arg10[%add3A_83, %dma_wait3A_84] : memref<10240x128xf32, #tpu.memory_space<vmem_shared>> -> memref<128x128xf32, #tpu.memory_space<vmem_shared>>
    %dma_wait3A_86 = arith.constant 0 : i32
    %dma_wait3A_87 = tpu.memref_slice %arg10[%add3A_83, %dma_wait3A_86] : memref<10240x128xf32, #tpu.memory_space<vmem_shared>> -> memref<128x128xf32, #tpu.memory_space<vmem_shared>>
    tpu.wait_dma2 semaphore(%arg11 : memref<!tpu.dma_semaphore, #tpu.memory_space<semaphore_mem>>) src(%dma_wait3A_87 : memref<128x128xf32, #tpu.memory_space<vmem_shared>>) dst(%arg9 : memref<128x128xf32, #tpu.memory_space<vmem>>)
    %add3A_88 = arith.constant 128 : i32
    %add3A_89 = arith.addi %add3A_83, %add3A_88 : i32
    %dma_start3A_90 = arith.constant 0 : i32
    %dma_start3A_91 = tpu.memref_slice %arg10[%add3A_89, %dma_start3A_90] : memref<10240x128xf32, #tpu.memory_space<vmem_shared>> -> memref<128x128xf32, #tpu.memory_space<vmem_shared>>
    %dma_start3A_92 = arith.constant 0 : i32
    %dma_start3A_93 = tpu.memref_slice %arg10[%add3A_89, %dma_start3A_92] : memref<10240x128xf32, #tpu.memory_space<vmem_shared>> -> memref<128x128xf32, #tpu.memory_space<vmem_shared>>
    tpu.enqueue_dma source(%dma_start3A_93 : memref<128x128xf32, #tpu.memory_space<vmem_shared>>) target(%arg8 : memref<128x128xf32, #tpu.memory_space<vmem>>) target_semaphore(%arg11 : memref<!tpu.dma_semaphore, #tpu.memory_space<semaphore_mem>>)
    "tpu.region"() ({
      %run_scoped3A = tpu.sem_alloc : memref<!tpu.dma_semaphore, #tpu.memory_space<semaphore_mem>>
      %dma_start3A_130 = arith.constant 0 : i32
      %dma_start3A_131 = tpu.memref_slice %arg5[%arg0, %add3A_83, %dma_start3A_130] : memref<2x10240x128xf32, #tpu.memory_space<hbm>> -> memref<1x128x128xf32, #tpu.memory_space<hbm>>
      %dma_start3A_132 = tpu.memref_squeeze %dma_start3A_131 : memref<1x128x128xf32, #tpu.memory_space<hbm>> -> memref<128x128xf32, #tpu.memory_space<hbm>>
      %dma_start3A_133 = arith.constant 0 : i32
      %dma_start3A_134 = tpu.memref_slice %arg5[%arg0, %add3A_83, %dma_start3A_133] : memref<2x10240x128xf32, #tpu.memory_space<hbm>> -> memref<1x128x128xf32, #tpu.memory_space<hbm>>
      %dma_start3A_135 = tpu.memref_squeeze %dma_start3A_134 : memref<1x128x128xf32, #tpu.memory_space<hbm>> -> memref<128x128xf32, #tpu.memory_space<hbm>>
      tpu.enqueue_dma source(%arg9 : memref<128x128xf32, #tpu.memory_space<vmem>>) target(%dma_start3A_135 : memref<128x128xf32, #tpu.memory_space<hbm>>) target_semaphore(%run_scoped3A : memref<!tpu.dma_semaphore, #tpu.memory_space<semaphore_mem>>)
      %dma_wait3A_136 = arith.constant 0 : i32
      %dma_wait3A_137 = tpu.memref_slice %arg5[%arg0, %add3A_83, %dma_wait3A_136] : memref<2x10240x128xf32, #tpu.memory_space<hbm>> -> memref<1x128x128xf32, #tpu.memory_space<hbm>>
      %dma_wait3A_138 = tpu.memref_squeeze %dma_wait3A_137 : memref<1x128x128xf32, #tpu.memory_space<hbm>> -> memref<128x128xf32, #tpu.memory_space<hbm>>
      %dma_wait3A_139 = arith.constant 0 : i32
      %dma_wait3A_140 = tpu.memref_slice %arg5[%arg0, %add3A_83, %dma_wait3A_139] : memref<2x10240x128xf32, #tpu.memory_space<hbm>> -> memref<1x128x128xf32, #tpu.memory_space<hbm>>
      %dma_wait3A_141 = tpu.memref_squeeze %dma_wait3A_140 : memref<1x128x128xf32, #tpu.memory_space<hbm>> -> memref<128x128xf32, #tpu.memory_space<hbm>>
      tpu.wait_dma2 semaphore(%run_scoped3A : memref<!tpu.dma_semaphore, #tpu.memory_space<semaphore_mem>>) src(%arg9 : memref<128x128xf32, #tpu.memory_space<vmem>>) dst(%dma_wait3A_141 : memref<128x128xf32, #tpu.memory_space<hbm>>)
      tpu.yield
    }) : () -> ()
    %mul3A_94 = arith.constant 640 : i32
    %mul3A_95 = arith.muli %arg1, %mul3A_94 : i32
    %add3A_96 = arith.constant 256 : i32
    %add3A_97 = arith.addi %mul3A_95, %add3A_96 : i32
    %dma_wait3A_98 = arith.constant 0 : i32
    %dma_wait3A_99 = tpu.memref_slice %arg10[%add3A_97, %dma_wait3A_98] : memref<10240x128xf32, #tpu.memory_space<vmem_shared>> -> memref<128x128xf32, #tpu.memory_space<vmem_shared>>
    %dma_wait3A_100 = arith.constant 0 : i32
    %dma_wait3A_101 = tpu.memref_slice %arg10[%add3A_97, %dma_wait3A_100] : memref<10240x128xf32, #tpu.memory_space<vmem_shared>> -> memref<128x128xf32, #tpu.memory_space<vmem_shared>>
    tpu.wait_dma2 semaphore(%arg11 : memref<!tpu.dma_semaphore, #tpu.memory_space<semaphore_mem>>) src(%dma_wait3A_101 : memref<128x128xf32, #tpu.memory_space<vmem_shared>>) dst(%arg8 : memref<128x128xf32, #tpu.memory_space<vmem>>)
    %add3A_102 = arith.constant 128 : i32
    %add3A_103 = arith.addi %add3A_97, %add3A_102 : i32
    %dma_start3A_104 = arith.constant 0 : i32
    %dma_start3A_105 = tpu.memref_slice %arg10[%add3A_103, %dma_start3A_104] : memref<10240x128xf32, #tpu.memory_space<vmem_shared>> -> memref<128x128xf32, #tpu.memory_space<vmem_shared>>
    %dma_start3A_106 = arith.constant 0 : i32
    %dma_start3A_107 = tpu.memref_slice %arg10[%add3A_103, %dma_start3A_106] : memref<10240x128xf32, #tpu.memory_space<vmem_shared>> -> memref<128x128xf32, #tpu.memory_space<vmem_shared>>
    tpu.enqueue_dma source(%dma_start3A_107 : memref<128x128xf32, #tpu.memory_space<vmem_shared>>) target(%arg9 : memref<128x128xf32, #tpu.memory_space<vmem>>) target_semaphore(%arg11 : memref<!tpu.dma_semaphore, #tpu.memory_space<semaphore_mem>>)
    "tpu.region"() ({
      %run_scoped3A = tpu.sem_alloc : memref<!tpu.dma_semaphore, #tpu.memory_space<semaphore_mem>>
      %dma_start3A_130 = arith.constant 0 : i32
      %dma_start3A_131 = tpu.memref_slice %arg5[%arg0, %add3A_97, %dma_start3A_130] : memref<2x10240x128xf32, #tpu.memory_space<hbm>> -> memref<1x128x128xf32, #tpu.memory_space<hbm>>
      %dma_start3A_132 = tpu.memref_squeeze %dma_start3A_131 : memref<1x128x128xf32, #tpu.memory_space<hbm>> -> memref<128x128xf32, #tpu.memory_space<hbm>>
      %dma_start3A_133 = arith.constant 0 : i32
      %dma_start3A_134 = tpu.memref_slice %arg5[%arg0, %add3A_97, %dma_start3A_133] : memref<2x10240x128xf32, #tpu.memory_space<hbm>> -> memref<1x128x128xf32, #tpu.memory_space<hbm>>
      %dma_start3A_135 = tpu.memref_squeeze %dma_start3A_134 : memref<1x128x128xf32, #tpu.memory_space<hbm>> -> memref<128x128xf32, #tpu.memory_space<hbm>>
      tpu.enqueue_dma source(%arg8 : memref<128x128xf32, #tpu.memory_space<vmem>>) target(%dma_start3A_135 : memref<128x128xf32, #tpu.memory_space<hbm>>) target_semaphore(%run_scoped3A : memref<!tpu.dma_semaphore, #tpu.memory_space<semaphore_mem>>)
      %dma_wait3A_136 = arith.constant 0 : i32
      %dma_wait3A_137 = tpu.memref_slice %arg5[%arg0, %add3A_97, %dma_wait3A_136] : memref<2x10240x128xf32, #tpu.memory_space<hbm>> -> memref<1x128x128xf32, #tpu.memory_space<hbm>>
      %dma_wait3A_138 = tpu.memref_squeeze %dma_wait3A_137 : memref<1x128x128xf32, #tpu.memory_space<hbm>> -> memref<128x128xf32, #tpu.memory_space<hbm>>
      %dma_wait3A_139 = arith.constant 0 : i32
      %dma_wait3A_140 = tpu.memref_slice %arg5[%arg0, %add3A_97, %dma_wait3A_139] : memref<2x10240x128xf32, #tpu.memory_space<hbm>> -> memref<1x128x128xf32, #tpu.memory_space<hbm>>
      %dma_wait3A_141 = tpu.memref_squeeze %dma_wait3A_140 : memref<1x128x128xf32, #tpu.memory_space<hbm>> -> memref<128x128xf32, #tpu.memory_space<hbm>>
      tpu.wait_dma2 semaphore(%run_scoped3A : memref<!tpu.dma_semaphore, #tpu.memory_space<semaphore_mem>>) src(%arg8 : memref<128x128xf32, #tpu.memory_space<vmem>>) dst(%dma_wait3A_141 : memref<128x128xf32, #tpu.memory_space<hbm>>)
      tpu.yield
    }) : () -> ()
    %mul3A_108 = arith.constant 640 : i32
    %mul3A_109 = arith.muli %arg1, %mul3A_108 : i32
    %add3A_110 = arith.constant 384 : i32
    %add3A_111 = arith.addi %mul3A_109, %add3A_110 : i32
    %dma_wait3A_112 = arith.constant 0 : i32
    %dma_wait3A_113 = tpu.memref_slice %arg10[%add3A_111, %dma_wait3A_112] : memref<10240x128xf32, #tpu.memory_space<vmem_shared>> -> memref<128x128xf32, #tpu.memory_space<vmem_shared>>
    %dma_wait3A_114 = arith.constant 0 : i32
    %dma_wait3A_115 = tpu.memref_slice %arg10[%add3A_111, %dma_wait3A_114] : memref<10240x128xf32, #tpu.memory_space<vmem_shared>> -> memref<128x128xf32, #tpu.memory_space<vmem_shared>>
    tpu.wait_dma2 semaphore(%arg11 : memref<!tpu.dma_semaphore, #tpu.memory_space<semaphore_mem>>) src(%dma_wait3A_115 : memref<128x128xf32, #tpu.memory_space<vmem_shared>>) dst(%arg9 : memref<128x128xf32, #tpu.memory_space<vmem>>)
    %add3A_116 = arith.constant 128 : i32
    %add3A_117 = arith.addi %add3A_111, %add3A_116 : i32
    %dma_start3A_118 = arith.constant 0 : i32
    %dma_start3A_119 = tpu.memref_slice %arg10[%add3A_117, %dma_start3A_118] : memref<10240x128xf32, #tpu.memory_space<vmem_shared>> -> memref<128x128xf32, #tpu.memory_space<vmem_shared>>
    %dma_start3A_120 = arith.constant 0 : i32
    %dma_start3A_121 = tpu.memref_slice %arg10[%add3A_117, %dma_start3A_120] : memref<10240x128xf32, #tpu.memory_space<vmem_shared>> -> memref<128x128xf32, #tpu.memory_space<vmem_shared>>
    tpu.enqueue_dma source(%dma_start3A_121 : memref<128x128xf32, #tpu.memory_space<vmem_shared>>) target(%arg8 : memref<128x128xf32, #tpu.memory_space<vmem>>) target_semaphore(%arg11 : memref<!tpu.dma_semaphore, #tpu.memory_space<semaphore_mem>>)
    "tpu.region"() ({
      %run_scoped3A = tpu.sem_alloc : memref<!tpu.dma_semaphore, #tpu.memory_space<semaphore_mem>>
      %dma_start3A_130 = arith.constant 0 : i32
      %dma_start3A_131 = tpu.memref_slice %arg5[%arg0, %add3A_111, %dma_start3A_130] : memref<2x10240x128xf32, #tpu.memory_space<hbm>> -> memref<1x128x128xf32, #tpu.memory_space<hbm>>
      %dma_start3A_132 = tpu.memref_squeeze %dma_start3A_131 : memref<1x128x128xf32, #tpu.memory_space<hbm>> -> memref<128x128xf32, #tpu.memory_space<hbm>>
      %dma_start3A_133 = arith.constant 0 : i32
      %dma_start3A_134 = tpu.memref_slice %arg5[%arg0, %add3A_111, %dma_start3A_133] : memref<2x10240x128xf32, #tpu.memory_space<hbm>> -> memref<1x128x128xf32, #tpu.memory_space<hbm>>
      %dma_start3A_135 = tpu.memref_squeeze %dma_start3A_134 : memref<1x128x128xf32, #tpu.memory_space<hbm>> -> memref<128x128xf32, #tpu.memory_space<hbm>>
      tpu.enqueue_dma source(%arg9 : memref<128x128xf32, #tpu.memory_space<vmem>>) target(%dma_start3A_135 : memref<128x128xf32, #tpu.memory_space<hbm>>) target_semaphore(%run_scoped3A : memref<!tpu.dma_semaphore, #tpu.memory_space<semaphore_mem>>)
      %dma_wait3A_136 = arith.constant 0 : i32
      %dma_wait3A_137 = tpu.memref_slice %arg5[%arg0, %add3A_111, %dma_wait3A_136] : memref<2x10240x128xf32, #tpu.memory_space<hbm>> -> memref<1x128x128xf32, #tpu.memory_space<hbm>>
      %dma_wait3A_138 = tpu.memref_squeeze %dma_wait3A_137 : memref<1x128x128xf32, #tpu.memory_space<hbm>> -> memref<128x128xf32, #tpu.memory_space<hbm>>
      %dma_wait3A_139 = arith.constant 0 : i32
      %dma_wait3A_140 = tpu.memref_slice %arg5[%arg0, %add3A_111, %dma_wait3A_139] : memref<2x10240x128xf32, #tpu.memory_space<hbm>> -> memref<1x128x128xf32, #tpu.memory_space<hbm>>
      %dma_wait3A_141 = tpu.memref_squeeze %dma_wait3A_140 : memref<1x128x128xf32, #tpu.memory_space<hbm>> -> memref<128x128xf32, #tpu.memory_space<hbm>>
      tpu.wait_dma2 semaphore(%run_scoped3A : memref<!tpu.dma_semaphore, #tpu.memory_space<semaphore_mem>>) src(%arg9 : memref<128x128xf32, #tpu.memory_space<vmem>>) dst(%dma_wait3A_141 : memref<128x128xf32, #tpu.memory_space<hbm>>)
      tpu.yield
    }) : () -> ()
    %mul3A_122 = arith.constant 640 : i32
    %mul3A_123 = arith.muli %arg1, %mul3A_122 : i32
    %add3A_124 = arith.constant 512 : i32
    %add3A_125 = arith.addi %mul3A_123, %add3A_124 : i32
    %dma_wait3A_126 = arith.constant 0 : i32
    %dma_wait3A_127 = tpu.memref_slice %arg10[%add3A_125, %dma_wait3A_126] : memref<10240x128xf32, #tpu.memory_space<vmem_shared>> -> memref<128x128xf32, #tpu.memory_space<vmem_shared>>
    %dma_wait3A_128 = arith.constant 0 : i32
    %dma_wait3A_129 = tpu.memref_slice %arg10[%add3A_125, %dma_wait3A_128] : memref<10240x128xf32, #tpu.memory_space<vmem_shared>> -> memref<128x128xf32, #tpu.memory_space<vmem_shared>>
    tpu.wait_dma2 semaphore(%arg11 : memref<!tpu.dma_semaphore, #tpu.memory_space<semaphore_mem>>) src(%dma_wait3A_129 : memref<128x128xf32, #tpu.memory_space<vmem_shared>>) dst(%arg8 : memref<128x128xf32, #tpu.memory_space<vmem>>)
    "tpu.region"() ({
      %run_scoped3A = tpu.sem_alloc : memref<!tpu.dma_semaphore, #tpu.memory_space<semaphore_mem>>
      %dma_start3A_130 = arith.constant 0 : i32
      %dma_start3A_131 = tpu.memref_slice %arg5[%arg0, %add3A_125, %dma_start3A_130] : memref<2x10240x128xf32, #tpu.memory_space<hbm>> -> memref<1x128x128xf32, #tpu.memory_space<hbm>>
      %dma_start3A_132 = tpu.memref_squeeze %dma_start3A_131 : memref<1x128x128xf32, #tpu.memory_space<hbm>> -> memref<128x128xf32, #tpu.memory_space<hbm>>
      %dma_start3A_133 = arith.constant 0 : i32
      %dma_start3A_134 = tpu.memref_slice %arg5[%arg0, %add3A_125, %dma_start3A_133] : memref<2x10240x128xf32, #tpu.memory_space<hbm>> -> memref<1x128x128xf32, #tpu.memory_space<hbm>>
      %dma_start3A_135 = tpu.memref_squeeze %dma_start3A_134 : memref<1x128x128xf32, #tpu.memory_space<hbm>> -> memref<128x128xf32, #tpu.memory_space<hbm>>
      tpu.enqueue_dma source(%arg8 : memref<128x128xf32, #tpu.memory_space<vmem>>) target(%dma_start3A_135 : memref<128x128xf32, #tpu.memory_space<hbm>>) target_semaphore(%run_scoped3A : memref<!tpu.dma_semaphore, #tpu.memory_space<semaphore_mem>>)
      %dma_wait3A_136 = arith.constant 0 : i32
      %dma_wait3A_137 = tpu.memref_slice %arg5[%arg0, %add3A_125, %dma_wait3A_136] : memref<2x10240x128xf32, #tpu.memory_space<hbm>> -> memref<1x128x128xf32, #tpu.memory_space<hbm>>
      %dma_wait3A_138 = tpu.memref_squeeze %dma_wait3A_137 : memref<1x128x128xf32, #tpu.memory_space<hbm>> -> memref<128x128xf32, #tpu.memory_space<hbm>>
      %dma_wait3A_139 = arith.constant 0 : i32
      %dma_wait3A_140 = tpu.memref_slice %arg5[%arg0, %add3A_125, %dma_wait3A_139] : memref<2x10240x128xf32, #tpu.memory_space<hbm>> -> memref<1x128x128xf32, #tpu.memory_space<hbm>>
      %dma_wait3A_141 = tpu.memref_squeeze %dma_wait3A_140 : memref<1x128x128xf32, #tpu.memory_space<hbm>> -> memref<128x128xf32, #tpu.memory_space<hbm>>
      tpu.wait_dma2 semaphore(%run_scoped3A : memref<!tpu.dma_semaphore, #tpu.memory_space<semaphore_mem>>) src(%arg8 : memref<128x128xf32, #tpu.memory_space<vmem>>) dst(%dma_wait3A_141 : memref<128x128xf32, #tpu.memory_space<hbm>>)
      tpu.yield
    }) : () -> ()
    return
  }
}

module attributes {stable_mosaic.version = 14 : i64} {
  func.func @_scale_body(%arg0: i32, %arg1: memref<2x1000x128xf32, #tpu.memory_space<vmem>>, %arg2: memref<1000x128xf32, #tpu.memory_space<vmem>>, %arg3: memref<1000x128xf32, #tpu.memory_space<vmem>>) attributes {dimension_semantics = [#tpu.dimension_semantics<arbitrary>], iteration_bounds = array<i64: 10>, scalar_prefetch = 0 : i64, scratch_operands = 0 : i64, tpu.core_type = #tpu.core_type<tc>, window_params = [{transform_indices = @transform_0, window_bounds = array<i64: 2, 1000, 128>}, {transform_indices = @transform_1, window_bounds = array<i64: 1000, 128>}, {transform_indices = @transform_2, window_bounds = array<i64: 1000, 128>}]} {
    %get3A = arith.constant 0 : index
    %get3A_0 = arith.constant 0 : index
    %get3A_1 = arith.constant 0 : index
    %get3A_2 = vector.load %arg1[%get3A, %get3A_0, %get3A_1] : memref<2x1000x128xf32, #tpu.memory_space<vmem>>, vector<1x1000x1xf32>
    %get3A_3 = vector.shape_cast %get3A_2 : vector<1x1000x1xf32> to vector<1000x1xf32>
    %get3A_4 = arith.constant 1 : index
    %get3A_5 = arith.constant 0 : index
    %get3A_6 = arith.constant 0 : index
    %get3A_7 = vector.load %arg1[%get3A_4, %get3A_5, %get3A_6] : memref<2x1000x128xf32, #tpu.memory_space<vmem>>, vector<1x1000x1xf32>
    %get3A_8 = vector.shape_cast %get3A_7 : vector<1x1000x1xf32> to vector<1000x1xf32>
    %add3A = arith.addf %get3A_3, %get3A_8 : vector<1000x1xf32>
    %add3A_9 = arith.constant 1.000000e+00 : f32
    %add3A_10 = vector.broadcast %add3A_9 : f32 to vector<1000x1xf32>
    %add3A_11 = arith.addf %add3A, %add3A_10 : vector<1000x1xf32>
    %rsqrt3A = math.rsqrt %add3A_11 : vector<1000x1xf32>
    %get3A_12 = arith.constant 0 : index
    %get3A_13 = arith.constant 0 : index
    %get3A_14 = vector.load %arg2[%get3A_12, %get3A_13] : memref<1000x128xf32, #tpu.memory_space<vmem>>, vector<1000x128xf32>
    %mul3A = vector.broadcast %rsqrt3A : vector<1000x1xf32> to vector<1000x128xf32>
    %mul3A_15 = arith.mulf %mul3A, %get3A_14 : vector<1000x128xf32>
    %swap3A = arith.constant 0 : index
    %swap3A_16 = arith.constant 0 : index
    %swap3A_17 = vector.load %arg3[%swap3A, %swap3A_16] : memref<1000x128xf32, #tpu.memory_space<vmem>>, vector<1000x128xf32>
    tpu.vector_store %arg3[%swap3A, %swap3A_16], %mul3A_15 {strides = array<i32>} : memref<1000x128xf32, #tpu.memory_space<vmem>>, vector<1000x128xf32>,
    return
  }
  func.func @transform_0(%arg0: i32) -> (i32, i32, i32) {
    %c0_i32 = arith.constant 0 : i32
    %c0_i32_0 = arith.constant 0 : i32
    %c0_i32_1 = arith.constant 0 : i32
    return %c0_i32, %arg0, %c0_i32_0 : i32, i32, i32
  }
  func.func @transform_1(%arg0: i32) -> (i32, i32) {
    %c0_i32 = arith.constant 0 : i32
    %c0_i32_0 = arith.constant 0 : i32
    return %arg0, %c0_i32 : i32, i32
  }
  func.func @transform_2(%arg0: i32) -> (i32, i32) {
    %c0_i32 = arith.constant 0 : i32
    %c0_i32_0 = arith.constant 0 : i32
    return %arg0, %c0_i32 : i32, i32
  }
}

module attributes {stable_mosaic.version = 14 : i64} {
  func.func @_out_body(%arg0: i32, %arg1: memref<2x1000x128xf32, #tpu.memory_space<vmem>>, %arg2: memref<2x1000x128xf32, #tpu.memory_space<vmem>>, %arg3: memref<1000x128xf32, #tpu.memory_space<vmem>>, %arg4: memref<128x128xf32, #tpu.memory_space<vmem>>, %arg5: memref<1x128xf32, #tpu.memory_space<vmem>>, %arg6: memref<128x128xf32, #tpu.memory_space<vmem>>, %arg7: memref<1x128xf32, #tpu.memory_space<vmem>>, %arg8: memref<1000x128xf32, #tpu.memory_space<vmem>>, %arg9: memref<1000x128xf32, #tpu.memory_space<vmem>>) attributes {dimension_semantics = [#tpu.dimension_semantics<arbitrary>], iteration_bounds = array<i64: 10>, scalar_prefetch = 0 : i64, scratch_operands = 0 : i64, tpu.core_type = #tpu.core_type<tc>, window_params = [{transform_indices = @transform_0, window_bounds = array<i64: 2, 1000, 128>}, {transform_indices = @transform_1, window_bounds = array<i64: 2, 1000, 128>}, {transform_indices = @transform_2, window_bounds = array<i64: 1000, 128>}, {pipeline_mode = #tpu.pipeline_mode<synchronous>, transform_indices = @transform_3, window_bounds = array<i64: 128, 128>}, {pipeline_mode = #tpu.pipeline_mode<synchronous>, transform_indices = @transform_4, window_bounds = array<i64: 1, 128>}, {pipeline_mode = #tpu.pipeline_mode<synchronous>, transform_indices = @transform_5, window_bounds = array<i64: 128, 128>}, {pipeline_mode = #tpu.pipeline_mode<synchronous>, transform_indices = @transform_6, window_bounds = array<i64: 1, 128>}, {transform_indices = @transform_7, window_bounds = array<i64: 1000, 128>}, {transform_indices = @transform_8, window_bounds = array<i64: 1000, 128>}]} {
    %get3A = arith.constant 0 : index
    %get3A_0 = arith.constant 0 : index
    %get3A_1 = arith.constant 0 : index
    %get3A_2 = vector.load %arg1[%get3A, %get3A_0, %get3A_1] : memref<2x1000x128xf32, #tpu.memory_space<vmem>>, vector<1x1000x1xf32>
    %get3A_3 = vector.shape_cast %get3A_2 : vector<1x1000x1xf32> to vector<1000x1xf32>
    %get3A_4 = arith.constant 1 : index
    %get3A_5 = arith.constant 0 : index
    %get3A_6 = arith.constant 0 : index
    %get3A_7 = vector.load %arg1[%get3A_4, %get3A_5, %get3A_6] : memref<2x1000x128xf32, #tpu.memory_space<vmem>>, vector<1x1000x1xf32>
    %get3A_8 = vector.shape_cast %get3A_7 : vector<1x1000x1xf32> to vector<1000x1xf32>
    %add3A = arith.addf %get3A_3, %get3A_8 : vector<1000x1xf32>
    %add3A_9 = arith.constant 1.000000e+00 : f32
    %add3A_10 = vector.broadcast %add3A_9 : f32 to vector<1000x1xf32>
    %add3A_11 = arith.addf %add3A, %add3A_10 : vector<1000x1xf32>
    %rsqrt3A = math.rsqrt %add3A_11 : vector<1000x1xf32>
    %get3A_12 = arith.constant 0 : index
    %get3A_13 = arith.constant 0 : index
    %get3A_14 = arith.constant 0 : index
    %get3A_15 = vector.load %arg2[%get3A_12, %get3A_13, %get3A_14] : memref<2x1000x128xf32, #tpu.memory_space<vmem>>, vector<1x1000x128xf32>
    %get3A_16 = vector.shape_cast %get3A_15 : vector<1x1000x128xf32> to vector<1000x128xf32>
    %get3A_17 = arith.constant 1 : index
    %get3A_18 = arith.constant 0 : index
    %get3A_19 = arith.constant 0 : index
    %get3A_20 = vector.load %arg2[%get3A_17, %get3A_18, %get3A_19] : memref<2x1000x128xf32, #tpu.memory_space<vmem>>, vector<1x1000x128xf32>
    %get3A_21 = vector.shape_cast %get3A_20 : vector<1x1000x128xf32> to vector<1000x128xf32>
    %add3A_22 = arith.addf %get3A_16, %get3A_21 : vector<1000x128xf32>
    %get3A_23 = arith.constant 0 : index
    %get3A_24 = arith.constant 0 : index
    %get3A_25 = vector.load %arg3[%get3A_23, %get3A_24] : memref<1000x128xf32, #tpu.memory_space<vmem>>, vector<1000x128xf32>
    %add3A_26 = arith.addf %add3A_22, %get3A_25 : vector<1000x128xf32>
    %mul3A = vector.broadcast %rsqrt3A : vector<1000x1xf32> to vector<1000x128xf32>
    %mul3A_27 = arith.mulf %mul3A, %add3A_26 : vector<1000x128xf32>
    %get3A_28 = arith.constant 0 : index
    %get3A_29 = arith.constant 0 : index
    %get3A_30 = vector.load %arg4[%get3A_28, %get3A_29] : memref<128x128xf32, #tpu.memory_space<vmem>>, vector<128x128xf32>
    %dot_general3A = arith.constant dense<0.000000e+00> : vector<1000x128xf32>
    %dot_general3A_31 = tpu.matmul %mul3A_27, %get3A_30, %dot_general3A {dimension_numbers = #tpu.dot_dimension_numbers<[1], [0], [0], [1], [0, 0, 1, 1], [], []>, transpose_lhs_hint = false} : vector<1000x128xf32>, vector<128x128xf32>, vector<1000x128xf32> -> vector<1000x128xf32>
    %get3A_32 = arith.constant 0 : index
    %get3A_33 = arith.constant 0 : index
    %get3A_34 = vector.load %arg5[%get3A_32, %get3A_33] : memref<1x128xf32, #tpu.memory_space<vmem>>, vector<1x128xf32>
    %add3A_35 = vector.broadcast %get3A_34 : vector<1x128xf32> to vector<1000x128xf32>
    %add3A_36 = arith.addf %dot_general3A_31, %add3A_35 : vector<1000x128xf32>
    %swap3A = arith.constant 0 : index
    %swap3A_37 = arith.constant 0 : index
    %swap3A_38 = vector.load %arg8[%swap3A, %swap3A_37] : memref<1000x128xf32, #tpu.memory_space<vmem>>, vector<1000x128xf32>
    tpu.vector_store %arg8[%swap3A, %swap3A_37], %add3A_36 {strides = array<i32>} : memref<1000x128xf32, #tpu.memory_space<vmem>>, vector<1000x128xf32>,
    %get3A_39 = arith.constant 0 : index
    %get3A_40 = arith.constant 0 : index
    %get3A_41 = vector.load %arg6[%get3A_39, %get3A_40] : memref<128x128xf32, #tpu.memory_space<vmem>>, vector<128x128xf32>
    %dot_general3A_42 = arith.constant dense<0.000000e+00> : vector<1000x128xf32>
    %dot_general3A_43 = tpu.matmul %mul3A_27, %get3A_41, %dot_general3A_42 {dimension_numbers = #tpu.dot_dimension_numbers<[1], [0], [0], [1], [0, 0, 1, 1], [], []>, transpose_lhs_hint = false} : vector<1000x128xf32>, vector<128x128xf32>, vector<1000x128xf32> -> vector<1000x128xf32>
    %get3A_44 = arith.constant 0 : index
    %get3A_45 = arith.constant 0 : index
    %get3A_46 = vector.load %arg7[%get3A_44, %get3A_45] : memref<1x128xf32, #tpu.memory_space<vmem>>, vector<1x128xf32>
    %add3A_47 = vector.broadcast %get3A_46 : vector<1x128xf32> to vector<1000x128xf32>
    %add3A_48 = arith.addf %dot_general3A_43, %add3A_47 : vector<1000x128xf32>
    %swap3A_49 = arith.constant 0 : index
    %swap3A_50 = arith.constant 0 : index
    %swap3A_51 = vector.load %arg9[%swap3A_49, %swap3A_50] : memref<1000x128xf32, #tpu.memory_space<vmem>>, vector<1000x128xf32>
    tpu.vector_store %arg9[%swap3A_49, %swap3A_50], %add3A_48 {strides = array<i32>} : memref<1000x128xf32, #tpu.memory_space<vmem>>, vector<1000x128xf32>,
    return
  }
  func.func @transform_0(%arg0: i32) -> (i32, i32, i32) {
    %c0_i32 = arith.constant 0 : i32
    %c0_i32_0 = arith.constant 0 : i32
    %c0_i32_1 = arith.constant 0 : i32
    return %c0_i32, %arg0, %c0_i32_0 : i32, i32, i32
  }
  func.func @transform_1(%arg0: i32) -> (i32, i32, i32) {
    %c0_i32 = arith.constant 0 : i32
    %c0_i32_0 = arith.constant 0 : i32
    %c0_i32_1 = arith.constant 0 : i32
    return %c0_i32, %arg0, %c0_i32_0 : i32, i32, i32
  }
  func.func @transform_2(%arg0: i32) -> (i32, i32) {
    %c0_i32 = arith.constant 0 : i32
    %c0_i32_0 = arith.constant 0 : i32
    return %arg0, %c0_i32 : i32, i32
  }
  func.func @transform_3(%arg0: i32) -> (i32, i32) {
    %c0_i32 = arith.constant 0 : i32
    %c0_i32_0 = arith.constant 0 : i32
    %c0_i32_1 = arith.constant 0 : i32
    return %c0_i32, %c0_i32_0 : i32, i32
  }
  func.func @transform_4(%arg0: i32) -> (i32, i32) {
    %c0_i32 = arith.constant 0 : i32
    %c0_i32_0 = arith.constant 0 : i32
    %c0_i32_1 = arith.constant 0 : i32
    return %c0_i32, %c0_i32_0 : i32, i32
  }
  func.func @transform_5(%arg0: i32) -> (i32, i32) {
    %c0_i32 = arith.constant 0 : i32
    %c0_i32_0 = arith.constant 0 : i32
    %c0_i32_1 = arith.constant 0 : i32
    return %c0_i32, %c0_i32_0 : i32, i32
  }
  func.func @transform_6(%arg0: i32) -> (i32, i32) {
    %c0_i32 = arith.constant 0 : i32
    %c0_i32_0 = arith.constant 0 : i32
    %c0_i32_1 = arith.constant 0 : i32
    return %c0_i32, %c0_i32_0 : i32, i32
  }
  func.func @transform_7(%arg0: i32) -> (i32, i32) {
    %c0_i32 = arith.constant 0 : i32
    %c0_i32_0 = arith.constant 0 : i32
    return %arg0, %c0_i32 : i32, i32
  }
  func.func @transform_8(%arg0: i32) -> (i32, i32) {
    %c0_i32 = arith.constant 0 : i32
    %c0_i32_0 = arith.constant 0 : i32
    return %arg0, %c0_i32 : i32, i32
  }
}

</mosaic_0001>

<sc_bundles>
// kernel: kernel.6.cloned.1.call-start
scs
__scs_entry_jumppad:
0x0: {  	(pc) =	sbr.rel $0x88, $3  }
0x1: {  	(tag) =	ssettag $0x0;
	lr =	simm.s32 $0x1  }
0x2: {  	[smem:$0x3F9B] =	sst lr;
	_ =	strace $0xD0000000  }
0x3: {  	_ = 	snop  }
0x4: {  	_ = 	snop  }
0x5: {  	_ = 	snop  }
0x6: {  	_ = 	snop  }
0x7: {  	_ = 	snop  }
__scs_overlays_trampoline_lowered:
0x8: {  	[smem:$0x3FAA] =	sst s0  }
0x9: {  	[smem:$0x3FAB] =	sst s1  }
0xa: {  	[smem:$0x3FAC] =	sst s2  }
0xb: {  	[smem:$0x3FAD] =	sst s3  }
0xc: {  	[smem:$0x3FAE] =	sst s4  }
0xd: {  	[smem:$0x3FAF] =	sst s5  }
0xe: {  	[smem:$0x3FB0] =	sst s6  }
0xf: {  	[smem:$0x3FB1] =	sst s7  }
0x10: {  	[smem:$0x3FB2] =	sst s8  }
0x11: {  	[smem:$0x3FB3] =	sst s9;
	s0 =	simm.s32 @!p0 $0x0  }
0x12: {  	s1 =	sld [smem:$0x3F99];
	s0 =	simm.s32 @p0 $0x1  }
0x13: {  	[smem:$0x3FB4] =	sst s0;
	s0 =	simm.s32 @!p1 $0x0  }
0x14: {  	s2 =	sld [smem:$0x3F98];
	s0 =	simm.s32 @p1 $0x1  }
0x15: {  	[smem:$0x3FB5] =	sst s0;
	s0 =	simm.s32 @!p2 $0x0  }
0x16: {  	s3 =	sld [smem:$0x3FDB];
	s0 =	simm.s32 @p2 $0x1  }
0x17: {  	s4 =	simm.s32 $0x1BF5;
	[smem:$0x3FB7] =	sst s0  }
0x18: {  	s0 =	sld [smem:$0x3F9A];
	_ =	swait.ge [sflag:s4], $0x0  }
0x19: {  	s7 =	sld [smem:$0x3F9B]  }
0x1a: {  	s8 =	sadd.s32 $0xFFFFE003, lr  }
0x1b: {  	s9 =	sadd.s32 $0xFFFFFEF7, lr;
	s5 =	simm.s32 $0xFFFFFFFF;
	p2 =	slt.u32 s8, $0xFFFFF086  }
0x1c: {  	p1 =	slt.u32 s9, $0xF7A;
	s5 =	simm.s32 @!p2 $0x0  }
0x1d: {  	s5 =	simm.s32 @p1 $0x1;
	p0 =	seq.s32 s7, s2  }
0x1e: {  	s7 =	smul.u32 @!p0 $0xF7A, s2;
	p2 =	seq.s32 @!p0 s5, $0x0  }
0x1f: {  	s9 =	smul.u32 $0xF7A, s1;
	s8 =	simm.s32 @!p0 $0x1BF5;
	p2 =	por !p2, p0  }
0x20: {  	[sflag:s8] =	ssyncset.s32 @!p0 $0xFFFFF086;
	s6 =	sadd.s32 @!p0 s3, s7;
	s7 =	simm.s32 @!p0 $0x108  }
0x21: {  	s3 =	sadd.s32 s3, s9;
	s6 =	sadd.s32 @!p0 $0x88, s6;
	s7 =	simm.s32 @p2 $0x1082  }
0x22: {  	[simem:s7], [sflag:s8] =	dma.local @!p0 [hbm:s6], $0xF7A  }
0x23: {  	s9 =	sor.u32 $0xD0000000, s2;
	s6 =	simm.s32 $0x108;
	_ =	swait.ge @!p0 [sflag:s8], $0x0  }
0x24: {  	s3 =	sadd.s32 $0x88, s3;
	s6 =	simm.s32 @!p1 $0x1082;
	[sflag:s4] =	ssyncset.s32 $0xFFFFF086  }
0x25: {  	[simem:s6], [sflag:s4] =	dma.local [hbm:s3], $0xF7A  }
0x26: {  	[smem:$0x3F9B] =	sst s1;
	(tag) =	ssettag s2;
	_ =	strace s9  }
0x27: {  	s1 =	sld [smem:$0x3FAB]  }
0x28: {  	s2 =	sld [smem:$0x3FAC]  }
0x29: {  	s4 =	sld [smem:$0x3FAE]  }
0x2a: {  	p0 =	seq.s32 s5, $0x0;
	s5 =	sld [smem:$0x3FAF]  }
0x2b: {  	s6 =	sld [smem:$0x3FB0]  }
0x2c: {  	s7 =	sld [smem:$0x3FB1]  }
0x2d: {  	s3 =	simm.s32 $0x108;
	s8 =	sld [smem:$0x3FB2]  }
0x2e: {  	s3 =	simm.s32 @!p0 $0x1082;
	s9 =	sld [smem:$0x3FB3]  }
0x2f: {  	lr =	sadd.s32 s0, s3;
	s0 =	sld [smem:$0x3FAA]  }
0x30: {  	s3 =	sld [smem:$0x3FAD]  }
0x31: {  	[smem:$0x3FB6] =	sst s10  }
0x32: {  	s10 =	sld [smem:$0x3FB4];
	_ =	sdelay $0x3  }
0x33: {  	p0 =	seq.s32 s10, $0x1;
	s10 =	sld [smem:$0x3FB6];
	_ =	sdelay $0x3  }
0x34: {  	[smem:$0x3FB6] =	sst s10  }
0x35: {  	s10 =	sld [smem:$0x3FB5];
	_ =	sdelay $0x3  }
0x36: {  	p1 =	seq.s32 s10, $0x1;
	s10 =	sld [smem:$0x3FB6];
	_ =	sdelay $0x3  }
0x37: {  	[smem:$0x3FB6] =	sst s10  }
0x38: {  	s10 =	sld [smem:$0x3FB7]  }
0x39: {  	_ = 	snop;
	(pc) =	sbr.ind lr, $3  }
0x3a: {  	_ = 	snop  }
0x3b: {  	_ = 	snop  }
0x3c: {  	p2 =	seq.s32 s10, $0x1;
	s10 =	sld [smem:$0x3FB6]  }
0x3d: {  	_ =	shalt  }
0x3e: {  	_ =	shalt  }
0x3f: {  	_ =	shalt  }
0x40: {  	_ =	shalt  }
0x41: {  	_ =	shalt  }
0x42: {  	_ =	shalt  }
0x43: {  	_ =	shalt  }
0x44: {  	_ =	shalt  }
0x45: {  	_ =	shalt  }
0x46: {  	_ =	shalt  }
0x47: {  	_ =	shalt  }
0x48: {  	_ =	shalt  }
0x49: {  	_ =	shalt  }
0x4a: {  	_ =	shalt  }
0x4b: {  	_ =	shalt  }
0x4c: {  	_ =	shalt  }
0x4d: {  	_ =	shalt  }
0x4e: {  	_ =	shalt  }
0x4f: {  	_ =	shalt  }
0x50: {  	_ =	shalt  }
0x51: {  	_ =	shalt  }
0x52: {  	_ =	shalt  }
0x53: {  	_ =	shalt  }
0x54: {  	_ =	shalt  }
0x55: {  	_ =	shalt  }
0x56: {  	_ =	shalt  }
0x57: {  	_ =	shalt  }
0x58: {  	_ =	shalt  }
0x59: {  	_ =	shalt  }
0x5a: {  	_ =	shalt  }
0x5b: {  	_ =	shalt  }
0x5c: {  	_ =	shalt  }
0x5d: {  	_ =	shalt  }
0x5e: {  	_ =	shalt  }
0x5f: {  	_ =	shalt  }
0x60: {  	_ =	shalt  }
0x61: {  	_ =	shalt  }
0x62: {  	_ =	shalt  }
0x63: {  	_ =	shalt  }
0x64: {  	_ =	shalt  }
0x65: {  	_ =	shalt  }
0x66: {  	_ =	shalt  }
0x67: {  	_ =	shalt  }
0x68: {  	_ =	shalt  }
0x69: {  	_ =	shalt  }
0x6a: {  	_ =	shalt  }
0x6b: {  	_ =	shalt  }
0x6c: {  	_ =	shalt  }
0x6d: {  	_ =	shalt  }
0x6e: {  	_ =	shalt  }
0x6f: {  	_ =	shalt  }
0x70: {  	_ =	shalt  }
0x71: {  	_ =	shalt  }
0x72: {  	_ =	shalt  }
0x73: {  	_ =	shalt  }
0x74: {  	_ =	shalt  }
0x75: {  	_ =	shalt  }
0x76: {  	_ =	shalt  }
0x77: {  	_ =	shalt  }
0x78: {  	_ =	shalt  }
0x79: {  	_ =	shalt  }
0x7a: {  	_ =	shalt  }
0x7b: {  	_ =	shalt  }
0x7c: {  	_ =	shalt  }
0x7d: {  	_ =	shalt  }
0x7e: {  	_ =	shalt  }
0x7f: {  	_ =	shalt  }
0x80: {  	_ =	shalt  }
0x81: {  	_ =	shalt  }
0x82: {  	_ =	shalt  }
0x83: {  	_ =	shalt  }
0x84: {  	_ =	shalt  }
0x85: {  	_ =	shalt  }
0x86: {  	_ =	shalt  }
0x87: {  	_ =	shalt  }
.Lfunc_end0:
.L_simem_size_0:
called_computation_lowered:
.L_overlay_start_0:
0x88: {  	s2 =	sld [smem:$0x3FD9]  }
0x89: {  	s3 =	sld [smem:$0x3FFE];
	_ =	sdelay $0x1  }
0x8a: {  	s1 =	srdreg.scid  }
0x8b: {  	s0 =	sand.u32 $0x1, s1  }
0x8c: {  	s14 =	sshll.u32 s0, $0xA;
	s2 =	sadd.s32 s3, s2  }
0x8d: {  	s2 =	sadd.s32 s2, s14  }
0x8e: {  	[smem:$0x3FC2] =	sst s2  }
0x8f: {  	_ = 	snop  }
0x90: {  	s2 =	sld [smem:$0x3FD0];
	_ =	sdelay $0x2  }
0x91: {  	s15 =	simm.s32 $0xA;
	s4 =	simm.s32 $0x10  }
0x92: {  	[smem:s4], [sflag:s15] =	dma.local [hbm:s2], $0x1  }
0x93: {  	_ =	swait.eq [sflag:s15], $0x1  }
0x94: {  	[sflag:s15] =	ssyncset.done $0x0  }
0x95: {  	[sflag:s15] =	ssyncadd.s32 $0xFFFFFFFF  }
0x96: {  	s16 =	sld [smem:$0x10];
	(tm) =	ssettm $0x1  }
0x97: {  	s17 =	sld [smem:$0x3FFB];
	_ =	sdelay $0x3  }
0x98: {  	_ =	strace s17  }
0x99: {  	s3 =	sld [smem:$0x3FFC];
	_ =	sdelay $0x3  }
0x9a: {  	_ =	strace s3  }
0x9b: {  	s3 =	sld [smem:$0x3FFD];
	_ =	sdelay $0x3  }
0x9c: {  	_ =	strace s3  }
0x9d: {  	_ =	strace $0x8FFFFFFF  }
0x9e: {  	s18 =	sld [smem:$0x3FDB];
	_ =	sdelay $0x1  }
0x9f: {  	s19 =	simm.s32 $_scs_section_size  }
0xa0: {  	s5 =	simm.s32 $_size__tile_overlayer_lowered;
	s6 =	simm.s32 $_tile_overlayer_lowered  }
0xa1: {  	s22 =	simm.s32 $0x1BFF;
	s21 =	sshll.u32 s6, $0x1;
	s3 =	sadd.s32 s19, s18  }
0xa2: {  	s7 =	simm.s32 $0x0;
	s20 =	sshll.u32 s5, $0x1;
	s5 =	sadd.s32 s21, s3  }
0xa3: {  	[timem:s7], [sflag:s22] =	dma.local [hbm:s5], s20  }
0xa4: {  	_ =	swait.ge [sflag:s22], s20  }
0xa5: {  	s4 =	ssub.s32 $0x0, s20;
	[sflag:s22] =	ssyncset.done $0x0  }
0xa6: {  	[sflag:s22] =	ssyncadd.s32 s4;
	_ =	sdelay $0x1  }
0xa7: {  	s23 =	simm.s32 $0x1B8B  }
0xa8: {  	_ =	swait.ge [sflag:s23], $0x1  }
0xa9: {  	[sflag:s23] =	ssyncset.done $0x0  }
0xaa: {  	s25 =	simm.s32 $0x1B8E;
	s24 =	sld [smem:$0x3FFE];
	[sflag:s23] =	ssyncadd.s32 $0xFFFFFFFF  }
0xab: {  	s26 =	simm.s32 $execute0_lowered;
	[smem:$0x3FD2] =	sst s25  }
0xac: {  	s5 =	sshll.u32 s26, $0x1;
	_ =	strace $0x80000046;
	[dreg:$0x1] =	wrdreg $0xFFFFFFFF  }
0xad: {  	s28 =	simm.s32 $_size_execute0_lowered;
	s3 =	sadd.s32 s3, s5;
	[dreg:$0x0] =	wrdreg $0x0  }
0xae: {  	s5 =	sshll.u32 s28, $0x1;
	[dreg:$0x2] =	wrdreg s3  }
0xaf: {  	[dreg:$0x3] =	wrdreg s5  }
0xb0: {  	[dreg:$0x4] =	wrdreg $0xC0  }
0xb1: {  	_ =	task [dreg:s7], $0x5FFFF  }
0xb2: {  	[dreg:$0x1] =	wrdreg $0xFFFFFFFF  }
0xb3: {  	[dreg:$0x0] =	wrdreg $0x60  }
0xb4: {  	[dreg:$0x2] =	wrdreg s16  }
0xb5: {  	[dreg:$0x3] =	wrdreg s24  }
0xb6: {  	[dreg:$0x4] =	wrdreg $0xA8000  }
0xb7: {  	[dreg:$0x5] =	wrdreg $0x9  }
0xb8: {  	_ =	task.clear_ibuf [dreg:s7], $0x6FFFF;
	_ =	strace $0x90000046  }
0xb9: {  	s29 =	simm.s32 $0x9;
	_ =	strace $0x80000048  }
0xba: {  	_ =	swait.ge [sflag:s29], $0x1  }
0xbb: {  	[sflag:s29] =	ssyncadd.s32 $0xFFFFFFFF  }
0xbc: {  	_ =	strace $0x90000048  }
0xbd: {  	_ =	sfence  }
0xbe: {  	s30 =	sld [smem:$0x0];
	_ =	sdelay $0x2  }
0xbf: {  	s31 =	sshll.u32 s1, $0xD;
	s1 =	sshrl.u32 s1, $0x2  }
0xc0: {  	s3 =	sand.u32 $0x4000, s31;
	s1 =	sadd.s32 s1, s30  }
0xc1: {  	s0 =	sor.u32 s3, s0;
	s1 =	sshll.u32 s1, $0x11  }
0xc2: {  	s0 =	sor.u32 s1, s0  }
0xc3: {  	s0 =	sadd.s32 $0x8F2B, s0  }
0xc4: {  	[sflag:s0] =	ssyncadd.remote.s32 $0x1  }
0xc5: {  	_ =	sfence.sel $0xFFFF  }
0xc6: {  	[dreg:$0x0] =	wrdreg $0xFFFFFFFF;
	(pc) =	sbr.abs _section_cstart, $3  }
0xc7: {  	[dreg:$0x1] =	wrdreg $0xFFFFFFFF  }
0xc8: {  	_ =	task.clear_ibuf [dreg:s7], $0x2FFFF;
	_ =	strace $0x9FFFFFFF  }
0xc9: {  	(tm) =	ssettm $0x7FFFFFFF  }
tec
execute0_lowered:
.L_overlay_start_1:
0x0: {  	(tag) =	ssettag $0x1  }
0x1: {  	s16 =	rddreg [dreg:$0x0]  }
0x2: {  	s4 =	rddreg [dreg:$0x1]  }
0x3: {  	s2 =	rddreg [dreg:$0x2]  }
0x4: {  	s0 =	rddreg [dreg:$0x3]  }
0x5: {  	s3 =	simm.s32 $0x0;
	s5 =	srdreg.scid;
	s1 =	stileid.u32  }
0x6: {  	s20 =	simm.s32 $0x2;
	s21 =	simm.s32 $0x80;
	s22 =	simm.s32 $0x2800  }
0x7: {  	s23 =	simm.s32 $0x1;
	s24 =	simm.s32 $0x8800;
	s25 =	simm.s32 $0x0  }
0x8: {  	[smem:$0x7FF] =	sst s3;
	s17 =	sand.u32 $0x1, s5;
	s31 =	smul.u32 $0x50000, s1  }
0x9: {  	s4 =	sadd.s32 $0xBE00, s4;
	s6 =	ssub.s32 $0x2, s17;
	s8 =	sshll.u32 s17, $0x4  }
0xa: {  	s17 =	smul.u32 $0x140000, s17;
	s7 =	sshrl.u32 s6, $0x1;
	s5 =	sshrl.u32 s31, $0x2  }
0xb: {  	s11 =	sor.u32 s1, s8;
	s18 =	ssub.s32 s6, s7;
	s6 =	smul.u32 $0x280, s1  }
0xc: {  	_ =	strace $0x80000047;
	s5 =	sadd.s32 s5, s2;
	s19 =	smul.u32 $0x500, s11  }
0xd: {  	s7 =	sadd.s32 $0x2000, s5;
	s8 =	sadd.s32 $0x4000, s5;
	s9 =	sadd.s32 $0x6000, s5  }
0xe: {  	s10 =	sadd.s32 $0x8000, s5;
	s11 =	sadd.s32 $0xA000, s5;
	s12 =	sadd.s32 $0xC000, s5  }
0xf: {  	s13 =	sadd.s32 $0xE000, s5;
	s14 =	sadd.s32 $0x10000, s5;
	s15 =	sadd.s32 $0x12000, s5  }
0x10: {  	v0 =	vimm.f32 $1.000000000e+00;
	v1 =	vimm.f32 $0.0e+00;
	s18 =	smax.u32 s18, $0x1;
	s16 =	sadd.s32 s16, s19;
	s19 =	simm.s32 $0x6800  }
.LBB2_1:
0x11: {  	s26 =	simm.s32 $0x0  }
.LBB2_2:
0x12: {  	p0 =	sne.s32 s26, $0xFE00  }
.Ltmp0:
0x13: {  	_ = 	snop;
	(pc) =	sbr.rel @p0 .LBB2_2-.Ltmp0, $3  }
0x14: {  	_ =	sdelay $0x1  }
0x15: {  	s28 =	sshra.s32 s26, $0x2  }
0x16: {  	s26 =	sadd.s32 $0x200, s26;
	[tilespmem:s28+$0x2800] =	vst v0  }
0x17: {  	s26 =	simm.s32 $0x200;
	s28 =	simm.s32 $0x0  }
.LBB2_4:
0x18: {  	p0 =	sne.s32 s26, $0x7E00;
	[tilespmem:s28+$0x6800] =	vst v1;
	s28 =	smov.u32 s26;
	s26 =	sadd.s32 $0x200, s26  }
.Ltmp1:
0x19: {  	(pc) =	sbr.rel @p0 .LBB2_4-.Ltmp1, $2  }
0x1a: {  	_ =	sdelay $0x2  }
0x1b: {  	s28 =	sshra.s32 s28, $0x2  }
0x1c: {  	[tilespmem:s28+$0x6800] =	vst v1  }
0x1d: {  	[spmem:s5] =	stream.linear.scatter [tilespmem:s19], [sflag:$0x2], $0x2000, $0x38;
	[tilespmem:$0xD000] =	vst v63  }
0x1e: {  	_ =	swait.ge [sflag:s20], $0x2000  }
0x1f: {  	[sflag:s20] =	ssyncset.done $0x0  }
0x20: {  	[sflag:s20] =	ssyncadd.s32 $0xFFFFE000  }
0x21: {  	[spmem:s7] =	stream.linear.scatter [tilespmem:s19], [sflag:$0x2], $0x2000, $0x38;
	[tilespmem:$0xD000] =	vst v63  }
0x22: {  	_ =	swait.ge [sflag:s20], $0x2000  }
0x23: {  	[sflag:s20] =	ssyncset.done $0x0  }
0x24: {  	[sflag:s20] =	ssyncadd.s32 $0xFFFFE000  }
0x25: {  	[spmem:s8] =	stream.linear.scatter [tilespmem:s19], [sflag:$0x2], $0x2000, $0x38;
	[tilespmem:$0xD000] =	vst v63  }
0x26: {  	_ =	swait.ge [sflag:s20], $0x2000  }
0x27: {  	[sflag:s20] =	ssyncset.done $0x0  }
0x28: {  	[sflag:s20] =	ssyncadd.s32 $0xFFFFE000  }
0x29: {  	[spmem:s9] =	stream.linear.scatter [tilespmem:s19], [sflag:$0x2], $0x2000, $0x38;
	[tilespmem:$0xD000] =	vst v63  }
0x2a: {  	_ =	swait.ge [sflag:s20], $0x2000  }
0x2b: {  	[sflag:s20] =	ssyncset.done $0x0  }
0x2c: {  	[sflag:s20] =	ssyncadd.s32 $0xFFFFE000  }
0x2d: {  	[spmem:s10] =	stream.linear.scatter [tilespmem:s19], [sflag:$0x2], $0x2000, $0x38;
	[tilespmem:$0xD000] =	vst v63  }
0x2e: {  	_ =	swait.ge [sflag:s20], $0x2000  }
0x2f: {  	[sflag:s20] =	ssyncset.done $0x0  }
0x30: {  	[sflag:s20] =	ssyncadd.s32 $0xFFFFE000  }
0x31: {  	[spmem:s11] =	stream.linear.scatter [tilespmem:s19], [sflag:$0x2], $0x2000, $0x38;
	[tilespmem:$0xD000] =	vst v63  }
0x32: {  	_ =	swait.ge [sflag:s20], $0x2000  }
0x33: {  	[sflag:s20] =	ssyncset.done $0x0  }
0x34: {  	[sflag:s20] =	ssyncadd.s32 $0xFFFFE000  }
0x35: {  	[spmem:s12] =	stream.linear.scatter [tilespmem:s19], [sflag:$0x2], $0x2000, $0x38;
	[tilespmem:$0xD000] =	vst v63  }
0x36: {  	_ =	swait.ge [sflag:s20], $0x2000  }
0x37: {  	[sflag:s20] =	ssyncset.done $0x0  }
0x38: {  	[sflag:s20] =	ssyncadd.s32 $0xFFFFE000  }
0x39: {  	[spmem:s13] =	stream.linear.scatter [tilespmem:s19], [sflag:$0x2], $0x2000, $0x38;
	[tilespmem:$0xD000] =	vst v63  }
0x3a: {  	_ =	swait.ge [sflag:s20], $0x2000  }
0x3b: {  	[sflag:s20] =	ssyncset.done $0x0  }
0x3c: {  	[sflag:s20] =	ssyncadd.s32 $0xFFFFE000  }
0x3d: {  	[spmem:s14] =	stream.linear.scatter [tilespmem:s19], [sflag:$0x2], $0x2000, $0x38;
	[tilespmem:$0xD000] =	vst v63  }
0x3e: {  	_ =	swait.ge [sflag:s20], $0x2000  }
0x3f: {  	[sflag:s20] =	ssyncset.done $0x0  }
0x40: {  	[sflag:s20] =	ssyncadd.s32 $0xFFFFE000  }
0x41: {  	[spmem:s15] =	stream.linear.scatter [tilespmem:s19], [sflag:$0x2], $0x2000, $0x38;
	[tilespmem:$0xD000] =	vst v63  }
0x42: {  	_ =	swait.ge [sflag:s20], $0x2000  }
0x43: {  	[sflag:s20] =	ssyncset.done $0x0  }
0x44: {  	[sflag:s20] =	ssyncadd.s32 $0xFFFFE000  }
0x45: {  	s26 =	simm.s32 $0x0;
	[bflag:$0x0] =	sbarrier.arrive $0xFFFF  }
0x46: {  	[tilespmem:s26], [sflag:$0x2] =	stream.linear.gather [hbm4b:s16+s26], $0x2800, $0x38;
	[tilespmem:$0xD000] =	vst v63  }
0x47: {  	_ =	swait.ge [sflag:s20], $0x2800  }
0x48: {  	[sflag:s20] =	ssyncset.done $0x0  }
0x49: {  	s31 =	simm.s32 $0x0;
	[sflag:s20] =	ssyncadd.s32 $0xFFFFD800  }
0x4a: {  	[spmem:s2] =	stream.indirect.scatter.add.f32 [tilespmem:s22], [sflag:$0x1], $0x10, s31, s21, $0xb8;
	[tilespmem:$0xD000] =	vst v63  }
0x4b: {  	s28 =	simm.s32 $0x80  }
0x4c: {  	[spmem:s2] =	stream.indirect.scatter.add.f32 [tilespmem:s22], [sflag:$0x1], $0x10, s28, s21, $0xb8;
	[tilespmem:$0xD000] =	vst v63  }
0x4d: {  	s29 =	simm.s32 $0x100  }
0x4e: {  	[spmem:s2] =	stream.indirect.scatter.add.f32 [tilespmem:s22], [sflag:$0x1], $0x10, s29, s21, $0xb8;
	[tilespmem:$0xD000] =	vst v63  }
0x4f: {  	s31 =	simm.s32 $0x180  }
0x50: {  	[spmem:s2] =	stream.indirect.scatter.add.f32 [tilespmem:s22], [sflag:$0x1], $0x10, s31, s21, $0xb8;
	[tilespmem:$0xD000] =	vst v63  }
0x51: {  	s28 =	simm.s32 $0x200  }
0x52: {  	[spmem:s2] =	stream.indirect.scatter.add.f32 [tilespmem:s22], [sflag:$0x1], $0x10, s28, s21, $0xb8;
	[tilespmem:$0xD000] =	vst v63  }
0x53: {  	s29 =	simm.s32 $0x280  }
0x54: {  	[spmem:s2] =	stream.indirect.scatter.add.f32 [tilespmem:s22], [sflag:$0x1], $0x10, s29, s21, $0xb8;
	[tilespmem:$0xD000] =	vst v63  }
0x55: {  	s31 =	simm.s32 $0x300  }
0x56: {  	[spmem:s2] =	stream.indirect.scatter.add.f32 [tilespmem:s22], [sflag:$0x1], $0x10, s31, s21, $0xb8;
	[tilespmem:$0xD000] =	vst v63  }
0x57: {  	s28 =	simm.s32 $0x380  }
0x58: {  	[spmem:s2] =	stream.indirect.scatter.add.f32 [tilespmem:s22], [sflag:$0x1], $0x10, s28, s21, $0xb8;
	[tilespmem:$0xD000] =	vst v63  }
0x59: {  	s29 =	simm.s32 $0x400  }
0x5a: {  	[spmem:s2] =	stream.indirect.scatter.add.f32 [tilespmem:s22], [sflag:$0x1], $0x10, s29, s21, $0xb8;
	[tilespmem:$0xD000] =	vst v63  }
0x5b: {  	s31 =	simm.s32 $0x480  }
0x5c: {  	[spmem:s2] =	stream.indirect.scatter.add.f32 [tilespmem:s22], [sflag:$0x1], $0x10, s31, s21, $0xb8;
	[tilespmem:$0xD000] =	vst v63  }
0x5d: {  	s28 =	simm.s32 $0x500  }
0x5e: {  	[spmem:s2] =	stream.indirect.scatter.add.f32 [tilespmem:s22], [sflag:$0x1], $0x10, s28, s21, $0xb8;
	[tilespmem:$0xD000] =	vst v63  }
0x5f: {  	s29 =	simm.s32 $0x580  }
0x60: {  	[spmem:s2] =	stream.indirect.scatter.add.f32 [tilespmem:s22], [sflag:$0x1], $0x10, s29, s21, $0xb8;
	[tilespmem:$0xD000] =	vst v63  }
0x61: {  	s31 =	simm.s32 $0x600  }
0x62: {  	[spmem:s2] =	stream.indirect.scatter.add.f32 [tilespmem:s22], [sflag:$0x1], $0x10, s31, s21, $0xb8;
	[tilespmem:$0xD000] =	vst v63  }
0x63: {  	s28 =	simm.s32 $0x680  }
0x64: {  	[spmem:s2] =	stream.indirect.scatter.add.f32 [tilespmem:s22], [sflag:$0x1], $0x10, s28, s21, $0xb8;
	[tilespmem:$0xD000] =	vst v63  }
0x65: {  	s29 =	simm.s32 $0x700  }
0x66: {  	[spmem:s2] =	stream.indirect.scatter.add.f32 [tilespmem:s22], [sflag:$0x1], $0x10, s29, s21, $0xb8;
	[tilespmem:$0xD000] =	vst v63  }
0x67: {  	s31 =	simm.s32 $0x780  }
0x68: {  	[spmem:s2] =	stream.indirect.scatter.add.f32 [tilespmem:s22], [sflag:$0x1], $0x10, s31, s21, $0xb8;
	[tilespmem:$0xD000] =	vst v63  }
0x69: {  	_ =	swait.ge [sflag:s23], $0x800  }
0x6a: {  	[sflag:s23] =	ssyncset.done $0x0  }
0x6b: {  	[sflag:s23] =	ssyncadd.s32 $0xFFFFF800  }
0x6c: {  	_ =	swait.ge [sflag:s23], $0x800  }
0x6d: {  	[sflag:s23] =	ssyncset.done $0x0  }
0x6e: {  	[sflag:s23] =	ssyncadd.s32 $0xFFFFF800  }
0x6f: {  	_ =	swait.ge [sflag:s23], $0x800  }
0x70: {  	[sflag:s23] =	ssyncset.done $0x0  }
0x71: {  	[sflag:s23] =	ssyncadd.s32 $0xFFFFF800  }
0x72: {  	_ =	swait.ge [sflag:s23], $0x800  }
0x73: {  	[sflag:s23] =	ssyncset.done $0x0  }
0x74: {  	[sflag:s23] =	ssyncadd.s32 $0xFFFFF800  }
0x75: {  	_ =	swait.ge [sflag:s23], $0x800  }
0x76: {  	[sflag:s23] =	ssyncset.done $0x0  }
0x77: {  	[sflag:s23] =	ssyncadd.s32 $0xFFFFF800  }
0x78: {  	_ =	swait.ge [sflag:s23], $0x800  }
0x79: {  	[sflag:s23] =	ssyncset.done $0x0  }
0x7a: {  	[sflag:s23] =	ssyncadd.s32 $0xFFFFF800  }
0x7b: {  	_ =	swait.ge [sflag:s23], $0x800  }
0x7c: {  	[sflag:s23] =	ssyncset.done $0x0  }
0x7d: {  	[sflag:s23] =	ssyncadd.s32 $0xFFFFF800  }
0x7e: {  	_ =	swait.ge [sflag:s23], $0x800  }
0x7f: {  	[sflag:s23] =	ssyncset.done $0x0  }
0x80: {  	[sflag:s23] =	ssyncadd.s32 $0xFFFFF800  }
0x81: {  	_ =	swait.ge [sflag:s23], $0x800  }
0x82: {  	[sflag:s23] =	ssyncset.done $0x0  }
0x83: {  	[sflag:s23] =	ssyncadd.s32 $0xFFFFF800  }
0x84: {  	_ =	swait.ge [sflag:s23], $0x800  }
0x85: {  	[sflag:s23] =	ssyncset.done $0x0  }
0x86: {  	[sflag:s23] =	ssyncadd.s32 $0xFFFFF800  }
0x87: {  	_ =	swait.ge [sflag:s23], $0x800  }
0x88: {  	[sflag:s23] =	ssyncset.done $0x0  }
0x89: {  	[sflag:s23] =	ssyncadd.s32 $0xFFFFF800  }
0x8a: {  	_ =	swait.ge [sflag:s23], $0x800  }
0x8b: {  	[sflag:s23] =	ssyncset.done $0x0  }
0x8c: {  	[sflag:s23] =	ssyncadd.s32 $0xFFFFF800  }
0x8d: {  	_ =	swait.ge [sflag:s23], $0x800  }
0x8e: {  	[sflag:s23] =	ssyncset.done $0x0  }
0x8f: {  	[sflag:s23] =	ssyncadd.s32 $0xFFFFF800  }
0x90: {  	_ =	swait.ge [sflag:s23], $0x800  }
0x91: {  	[sflag:s23] =	ssyncset.done $0x0  }
0x92: {  	[sflag:s23] =	ssyncadd.s32 $0xFFFFF800  }
0x93: {  	_ =	swait.ge [sflag:s23], $0x800  }
0x94: {  	[sflag:s23] =	ssyncset.done $0x0  }
0x95: {  	[sflag:s23] =	ssyncadd.s32 $0xFFFFF800  }
0x96: {  	_ =	swait.ge [sflag:s23], $0x800  }
0x97: {  	s30 =	simm.s32 $0x4000;
	s26 =	simm.s32 $0x2000;
	[sflag:s23] =	ssyncset.done $0x0  }
.LBB2_6:
0x98: {  	s29 =	sshra.s32 s26, $0x2  }
0x99: {  	[sflag:s23] =	ssyncadd.s32 $0xFFFFF800;
	s26 =	smov.u32 s30;
	s28 =	sadd.s32 $0x2000, s30  }
0x9a: {  	[spmem:s2] =	stream.indirect.scatter.add.f32 [tilespmem:s22], [sflag:$0x1], $0x10, s29, s21, $0xb8;
	[tilespmem:$0xD000] =	vst v63  }
0x9b: {  	p0 =	sne.s32 s30, $0x8000;
	s30 =	sadd.s32 $0x80, s29  }
0x9c: {  	[spmem:s2] =	stream.indirect.scatter.add.f32 [tilespmem:s22], [sflag:$0x1], $0x10, s30, s21, $0xb8;
	[tilespmem:$0xD000] =	vst v63  }
0x9d: {  	s30 =	sadd.s32 $0x100, s29  }
0x9e: {  	[spmem:s2] =	stream.indirect.scatter.add.f32 [tilespmem:s22], [sflag:$0x1], $0x10, s30, s21, $0xb8;
	[tilespmem:$0xD000] =	vst v63  }
0x9f: {  	s30 =	sadd.s32 $0x180, s29  }
0xa0: {  	[spmem:s2] =	stream.indirect.scatter.add.f32 [tilespmem:s22], [sflag:$0x1], $0x10, s30, s21, $0xb8;
	[tilespmem:$0xD000] =	vst v63  }
0xa1: {  	s30 =	sadd.s32 $0x200, s29  }
0xa2: {  	[spmem:s2] =	stream.indirect.scatter.add.f32 [tilespmem:s22], [sflag:$0x1], $0x10, s30, s21, $0xb8;
	[tilespmem:$0xD000] =	vst v63  }
0xa3: {  	s30 =	sadd.s32 $0x280, s29  }
0xa4: {  	[spmem:s2] =	stream.indirect.scatter.add.f32 [tilespmem:s22], [sflag:$0x1], $0x10, s30, s21, $0xb8;
	[tilespmem:$0xD000] =	vst v63  }
0xa5: {  	s30 =	sadd.s32 $0x300, s29  }
0xa6: {  	[spmem:s2] =	stream.indirect.scatter.add.f32 [tilespmem:s22], [sflag:$0x1], $0x10, s30, s21, $0xb8;
	[tilespmem:$0xD000] =	vst v63  }
0xa7: {  	s30 =	sadd.s32 $0x380, s29  }
0xa8: {  	[spmem:s2] =	stream.indirect.scatter.add.f32 [tilespmem:s22], [sflag:$0x1], $0x10, s30, s21, $0xb8;
	[tilespmem:$0xD000] =	vst v63  }
0xa9: {  	s30 =	sadd.s32 $0x400, s29  }
0xaa: {  	[spmem:s2] =	stream.indirect.scatter.add.f32 [tilespmem:s22], [sflag:$0x1], $0x10, s30, s21, $0xb8;
	[tilespmem:$0xD000] =	vst v63  }
0xab: {  	s30 =	sadd.s32 $0x480, s29  }
0xac: {  	[spmem:s2] =	stream.indirect.scatter.add.f32 [tilespmem:s22], [sflag:$0x1], $0x10, s30, s21, $0xb8;
	[tilespmem:$0xD000] =	vst v63  }
0xad: {  	s30 =	sadd.s32 $0x500, s29  }
0xae: {  	[spmem:s2] =	stream.indirect.scatter.add.f32 [tilespmem:s22], [sflag:$0x1], $0x10, s30, s21, $0xb8;
	[tilespmem:$0xD000] =	vst v63  }
0xaf: {  	s30 =	sadd.s32 $0x580, s29  }
0xb0: {  	[spmem:s2] =	stream.indirect.scatter.add.f32 [tilespmem:s22], [sflag:$0x1], $0x10, s30, s21, $0xb8;
	[tilespmem:$0xD000] =	vst v63  }
0xb1: {  	s30 =	sadd.s32 $0x600, s29  }
0xb2: {  	[spmem:s2] =	stream.indirect.scatter.add.f32 [tilespmem:s22], [sflag:$0x1], $0x10, s30, s21, $0xb8;
	[tilespmem:$0xD000] =	vst v63  }
0xb3: {  	s30 =	sadd.s32 $0x680, s29  }
0xb4: {  	[spmem:s2] =	stream.indirect.scatter.add.f32 [tilespmem:s22], [sflag:$0x1], $0x10, s30, s21, $0xb8;
	[tilespmem:$0xD000] =	vst v63  }
0xb5: {  	s30 =	sadd.s32 $0x700, s29  }
0xb6: {  	[spmem:s2] =	stream.indirect.scatter.add.f32 [tilespmem:s22], [sflag:$0x1], $0x10, s30, s21, $0xb8;
	[tilespmem:$0xD000] =	vst v63  }
0xb7: {  	s29 =	sadd.s32 $0x780, s29  }
0xb8: {  	[spmem:s2] =	stream.indirect.scatter.add.f32 [tilespmem:s22], [sflag:$0x1], $0x10, s29, s21, $0xb8;
	[tilespmem:$0xD000] =	vst v63  }
0xb9: {  	_ =	swait.ge [sflag:s23], $0x800  }
0xba: {  	[sflag:s23] =	ssyncset.done $0x0  }
0xbb: {  	[sflag:s23] =	ssyncadd.s32 $0xFFFFF800  }
0xbc: {  	_ =	swait.ge [sflag:s23], $0x800  }
0xbd: {  	[sflag:s23] =	ssyncset.done $0x0  }
0xbe: {  	[sflag:s23] =	ssyncadd.s32 $0xFFFFF800  }
0xbf: {  	_ =	swait.ge [sflag:s23], $0x800  }
0xc0: {  	[sflag:s23] =	ssyncset.done $0x0  }
0xc1: {  	[sflag:s23] =	ssyncadd.s32 $0xFFFFF800  }
0xc2: {  	_ =	swait.ge [sflag:s23], $0x800  }
0xc3: {  	[sflag:s23] =	ssyncset.done $0x0  }
0xc4: {  	[sflag:s23] =	ssyncadd.s32 $0xFFFFF800  }
0xc5: {  	_ =	swait.ge [sflag:s23], $0x800  }
0xc6: {  	[sflag:s23] =	ssyncset.done $0x0  }
0xc7: {  	[sflag:s23] =	ssyncadd.s32 $0xFFFFF800  }
0xc8: {  	_ =	swait.ge [sflag:s23], $0x800  }
0xc9: {  	[sflag:s23] =	ssyncset.done $0x0  }
0xca: {  	[sflag:s23] =	ssyncadd.s32 $0xFFFFF800  }
0xcb: {  	_ =	swait.ge [sflag:s23], $0x800  }
0xcc: {  	[sflag:s23] =	ssyncset.done $0x0  }
0xcd: {  	[sflag:s23] =	ssyncadd.s32 $0xFFFFF800  }
0xce: {  	_ =	swait.ge [sflag:s23], $0x800  }
0xcf: {  	[sflag:s23] =	ssyncset.done $0x0  }
0xd0: {  	[sflag:s23] =	ssyncadd.s32 $0xFFFFF800  }
0xd1: {  	_ =	swait.ge [sflag:s23], $0x800  }
0xd2: {  	[sflag:s23] =	ssyncset.done $0x0  }
0xd3: {  	[sflag:s23] =	ssyncadd.s32 $0xFFFFF800  }
0xd4: {  	_ =	swait.ge [sflag:s23], $0x800  }
0xd5: {  	[sflag:s23] =	ssyncset.done $0x0  }
0xd6: {  	[sflag:s23] =	ssyncadd.s32 $0xFFFFF800  }
0xd7: {  	_ =	swait.ge [sflag:s23], $0x800  }
0xd8: {  	[sflag:s23] =	ssyncset.done $0x0  }
0xd9: {  	[sflag:s23] =	ssyncadd.s32 $0xFFFFF800  }
0xda: {  	_ =	swait.ge [sflag:s23], $0x800  }
0xdb: {  	[sflag:s23] =	ssyncset.done $0x0  }
0xdc: {  	[sflag:s23] =	ssyncadd.s32 $0xFFFFF800  }
0xdd: {  	_ =	swait.ge [sflag:s23], $0x800  }
0xde: {  	[sflag:s23] =	ssyncset.done $0x0  }
0xdf: {  	[sflag:s23] =	ssyncadd.s32 $0xFFFFF800  }
0xe0: {  	_ =	swait.ge [sflag:s23], $0x800  }
0xe1: {  	[sflag:s23] =	ssyncset.done $0x0  }
0xe2: {  	[sflag:s23] =	ssyncadd.s32 $0xFFFFF800  }
.Ltmp2:
0xe3: {  	_ =	swait.ge [sflag:s23], $0x800;
	(pc) =	sbr.rel @p0 .LBB2_6-.Ltmp2, $4  }
0xe4: {  	[sflag:s23] =	ssyncset.done $0x0  }
0xe5: {  	[sflag:s23] =	ssyncadd.s32 $0xFFFFF800  }
0xe6: {  	_ =	swait.ge [sflag:s23], $0x800  }
0xe7: {  	s30 =	smov.u32 s28;
	[sflag:s23] =	ssyncset.done $0x0  }
0xe8: {  	s26 =	sshra.s32 s26, $0x2;
	[sflag:s23] =	ssyncadd.s32 $0xFFFFF800  }
0xe9: {  	[spmem:s2] =	stream.indirect.scatter.add.f32 [tilespmem:s22], [sflag:$0x1], $0x10, s26, s21, $0xb8;
	[tilespmem:$0xD000] =	vst v63  }
0xea: {  	s28 =	sadd.s32 $0x80, s26  }
0xeb: {  	[spmem:s2] =	stream.indirect.scatter.add.f32 [tilespmem:s22], [sflag:$0x1], $0x10, s28, s21, $0xb8;
	[tilespmem:$0xD000] =	vst v63  }
0xec: {  	s31 =	sadd.s32 $0x100, s26  }
0xed: {  	[spmem:s2] =	stream.indirect.scatter.add.f32 [tilespmem:s22], [sflag:$0x1], $0x10, s31, s21, $0xb8;
	[tilespmem:$0xD000] =	vst v63  }
0xee: {  	s29 =	sadd.s32 $0x180, s26  }
0xef: {  	[spmem:s2] =	stream.indirect.scatter.add.f32 [tilespmem:s22], [sflag:$0x1], $0x10, s29, s21, $0xb8;
	[tilespmem:$0xD000] =	vst v63  }
0xf0: {  	s30 =	sadd.s32 $0x200, s26  }
0xf1: {  	[spmem:s2] =	stream.indirect.scatter.add.f32 [tilespmem:s22], [sflag:$0x1], $0x10, s30, s21, $0xb8;
	[tilespmem:$0xD000] =	vst v63  }
0xf2: {  	s31 =	sadd.s32 $0x280, s26  }
0xf3: {  	[spmem:s2] =	stream.indirect.scatter.add.f32 [tilespmem:s22], [sflag:$0x1], $0x10, s31, s21, $0xb8;
	[tilespmem:$0xD000] =	vst v63  }
0xf4: {  	s29 =	sadd.s32 $0x300, s26  }
0xf5: {  	[spmem:s2] =	stream.indirect.scatter.add.f32 [tilespmem:s22], [sflag:$0x1], $0x10, s29, s21, $0xb8;
	[tilespmem:$0xD000] =	vst v63  }
0xf6: {  	s30 =	sadd.s32 $0x380, s26  }
0xf7: {  	[spmem:s2] =	stream.indirect.scatter.add.f32 [tilespmem:s22], [sflag:$0x1], $0x10, s30, s21, $0xb8;
	[tilespmem:$0xD000] =	vst v63  }
0xf8: {  	s31 =	sadd.s32 $0x400, s26  }
0xf9: {  	[spmem:s2] =	stream.indirect.scatter.add.f32 [tilespmem:s22], [sflag:$0x1], $0x10, s31, s21, $0xb8;
	[tilespmem:$0xD000] =	vst v63  }
0xfa: {  	s29 =	sadd.s32 $0x480, s26  }
0xfb: {  	[spmem:s2] =	stream.indirect.scatter.add.f32 [tilespmem:s22], [sflag:$0x1], $0x10, s29, s21, $0xb8;
	[tilespmem:$0xD000] =	vst v63  }
0xfc: {  	s30 =	sadd.s32 $0x500, s26  }
0xfd: {  	[spmem:s2] =	stream.indirect.scatter.add.f32 [tilespmem:s22], [sflag:$0x1], $0x10, s30, s21, $0xb8;
	[tilespmem:$0xD000] =	vst v63  }
0xfe: {  	s31 =	sadd.s32 $0x580, s26  }
0xff: {  	[spmem:s2] =	stream.indirect.scatter.add.f32 [tilespmem:s22], [sflag:$0x1], $0x10, s31, s21, $0xb8;
	[tilespmem:$0xD000] =	vst v63  }
0x100: {  	s29 =	sadd.s32 $0x600, s26  }
0x101: {  	[spmem:s2] =	stream.indirect.scatter.add.f32 [tilespmem:s22], [sflag:$0x1], $0x10, s29, s21, $0xb8;
	[tilespmem:$0xD000] =	vst v63  }
0x102: {  	s30 =	sadd.s32 $0x680, s26  }
0x103: {  	[spmem:s2] =	stream.indirect.scatter.add.f32 [tilespmem:s22], [sflag:$0x1], $0x10, s30, s21, $0xb8;
	[tilespmem:$0xD000] =	vst v63  }
0x104: {  	s31 =	sadd.s32 $0x700, s26  }
0x105: {  	[spmem:s2] =	stream.indirect.scatter.add.f32 [tilespmem:s22], [sflag:$0x1], $0x10, s31, s21, $0xb8;
	[tilespmem:$0xD000] =	vst v63  }
0x106: {  	s26 =	sadd.s32 $0x780, s26  }
0x107: {  	[spmem:s2] =	stream.indirect.scatter.add.f32 [tilespmem:s22], [sflag:$0x1], $0x10, s26, s21, $0xb8;
	[tilespmem:$0xD000] =	vst v63  }
0x108: {  	_ =	swait.ge [sflag:s23], $0x800  }
0x109: {  	[sflag:s23] =	ssyncset.done $0x0  }
0x10a: {  	[sflag:s23] =	ssyncadd.s32 $0xFFFFF800  }
0x10b: {  	_ =	swait.ge [sflag:s23], $0x800  }
0x10c: {  	[sflag:s23] =	ssyncset.done $0x0  }
0x10d: {  	[sflag:s23] =	ssyncadd.s32 $0xFFFFF800  }
0x10e: {  	_ =	swait.ge [sflag:s23], $0x800  }
0x10f: {  	[sflag:s23] =	ssyncset.done $0x0  }
0x110: {  	[sflag:s23] =	ssyncadd.s32 $0xFFFFF800  }
0x111: {  	_ =	swait.ge [sflag:s23], $0x800  }
0x112: {  	[sflag:s23] =	ssyncset.done $0x0  }
0x113: {  	[sflag:s23] =	ssyncadd.s32 $0xFFFFF800  }
0x114: {  	_ =	swait.ge [sflag:s23], $0x800  }
0x115: {  	[sflag:s23] =	ssyncset.done $0x0  }
0x116: {  	[sflag:s23] =	ssyncadd.s32 $0xFFFFF800  }
0x117: {  	_ =	swait.ge [sflag:s23], $0x800  }
0x118: {  	[sflag:s23] =	ssyncset.done $0x0  }
0x119: {  	[sflag:s23] =	ssyncadd.s32 $0xFFFFF800  }
0x11a: {  	_ =	swait.ge [sflag:s23], $0x800  }
0x11b: {  	[sflag:s23] =	ssyncset.done $0x0  }
0x11c: {  	[sflag:s23] =	ssyncadd.s32 $0xFFFFF800  }
0x11d: {  	_ =	swait.ge [sflag:s23], $0x800  }
0x11e: {  	[sflag:s23] =	ssyncset.done $0x0  }
0x11f: {  	[sflag:s23] =	ssyncadd.s32 $0xFFFFF800  }
0x120: {  	_ =	swait.ge [sflag:s23], $0x800  }
0x121: {  	[sflag:s23] =	ssyncset.done $0x0  }
0x122: {  	[sflag:s23] =	ssyncadd.s32 $0xFFFFF800  }
0x123: {  	_ =	swait.ge [sflag:s23], $0x800  }
0x124: {  	[sflag:s23] =	ssyncset.done $0x0  }
0x125: {  	[sflag:s23] =	ssyncadd.s32 $0xFFFFF800  }
0x126: {  	_ =	swait.ge [sflag:s23], $0x800  }
0x127: {  	[sflag:s23] =	ssyncset.done $0x0  }
0x128: {  	[sflag:s23] =	ssyncadd.s32 $0xFFFFF800  }
0x129: {  	_ =	swait.ge [sflag:s23], $0x800  }
0x12a: {  	[sflag:s23] =	ssyncset.done $0x0  }
0x12b: {  	[sflag:s23] =	ssyncadd.s32 $0xFFFFF800  }
0x12c: {  	_ =	swait.ge [sflag:s23], $0x800  }
0x12d: {  	[sflag:s23] =	ssyncset.done $0x0  }
0x12e: {  	[sflag:s23] =	ssyncadd.s32 $0xFFFFF800  }
0x12f: {  	_ =	swait.ge [sflag:s23], $0x800  }
0x130: {  	[sflag:s23] =	ssyncset.done $0x0  }
0x131: {  	[sflag:s23] =	ssyncadd.s32 $0xFFFFF800  }
0x132: {  	_ =	swait.ge [sflag:s23], $0x800  }
0x133: {  	[sflag:s23] =	ssyncset.done $0x0  }
0x134: {  	[sflag:s23] =	ssyncadd.s32 $0xFFFFF800  }
0x135: {  	_ =	swait.ge [sflag:s23], $0x800  }
0x136: {  	[sflag:s23] =	ssyncset.done $0x0  }
0x137: {  	[sflag:s23] =	ssyncadd.s32 $0xFFFFF800  }
0x138: {  	s26 =	simm.s32 $0x0;
	[bflag:$0x0] =	sbarrier.arrive $0xFFFF  }
.LBB2_8:
0x139: {  	s28 =	sshll.u32 s26, $0x6  }
0x13a: {  	s28 =	sadd.s32 s6, s28  }
0x13b: {  	s28 =	sshll.u32 s28, $0x7  }
0x13c: {  	s29 =	sand.u32 $0x3FFFFF80, s28  }
0x13d: {  	s29 =	sadd.s32 s29, s2  }
0x13e: {  	[tilespmem:s19], [sflag:$0x2] =	stream.linear.gather [spmem:s29], $0x2000, $0x38;
	[tilespmem:$0xD000] =	vst v63  }
0x13f: {  	_ =	swait.ge [sflag:s20], $0x2000  }
0x140: {  	[sflag:s20] =	ssyncset.done $0x0  }
0x141: {  	s29 =	simm.s32 $0x0;
	[sflag:s20] =	ssyncadd.s32 $0xFFFFE000  }
0x142: {  	v2 =	vld [tilespmem:s29+$0x6800];
	_ =	sdelay $0x4  }
0x143: {  	[tilespmem:s29+$0x8870] =	vst v2  }
0x144: {  	[tilespmem:s29+$0x8800] =	vst v2  }
0x145: {  	s30 =	simm.s32 $0x80;
	s31 =	simm.s32 $0x400;
	[tilespmem:s29+$0x8810] =	vst v2  }
.LBB2_9:
0x146: {  	p0 =	sne.s32 s31, $0x7E00;
	v3 =	vld [tilespmem:s30+$0x6800];
	[tilespmem:s29+$0x8820] =	vst v2  }
0x147: {  	[tilespmem:s29+$0x8830] =	vst v2  }
0x148: {  	[tilespmem:s29+$0x8840] =	vst v2  }
.Ltmp3:
0x149: {  	[tilespmem:s29+$0x8850] =	vst v2;
	(pc) =	sbr.rel @p0 .LBB2_9-.Ltmp3, $4  }
0x14a: {  	[tilespmem:s29+$0x8860] =	vst v2;
	s29 =	smov.u32 s30  }
0x14b: {  	[tilespmem:s29+$0x8870] =	vst v3;
	v2 =	vmov v3  }
0x14c: {  	[tilespmem:s29+$0x8800] =	vst v2  }
0x14d: {  	s30 =	sshra.s32 s31, $0x2;
	s31 =	sadd.s32 $0x200, s31;
	[tilespmem:s29+$0x8810] =	vst v2  }
0x14e: {  	v3 =	vld [tilespmem:s30+$0x6800];
	[tilespmem:s29+$0x8820] =	vst v2  }
0x14f: {  	[tilespmem:s29+$0x8830] =	vst v2  }
0x150: {  	[tilespmem:s29+$0x8840] =	vst v2  }
0x151: {  	[tilespmem:s29+$0x8850] =	vst v2  }
0x152: {  	[tilespmem:s29+$0x8860] =	vst v2  }
0x153: {  	[tilespmem:s30+$0x8870] =	vst v3  }
0x154: {  	[tilespmem:s30+$0x8800] =	vst v3  }
0x155: {  	[tilespmem:s30+$0x8810] =	vst v3  }
0x156: {  	[tilespmem:s30+$0x8820] =	vst v3  }
0x157: {  	[tilespmem:s30+$0x8830] =	vst v3  }
0x158: {  	s28 =	sadd.s32 s17, s28;
	s26 =	sadd.s32 $0x1, s26;
	[tilespmem:s30+$0x8840] =	vst v3  }
0x159: {  	s28 =	sshrl.u32 s28, $0x3;
	p0 =	sne.s32 s26, $0xA;
	[tilespmem:s30+$0x8850] =	vst v3  }
.Ltmp4:
0x15a: {  	s28 =	sadd.s32 s4, s28;
	[tilespmem:s30+$0x8860] =	vst v3;
	(pc) =	sbr.rel @p0 .LBB2_8-.Ltmp4, $4  }
0x15b: {  	[hbm4b:s28+s3] =	stream.linear.scatter [tilespmem:s24], [sflag:$0x2], $0x2000, $0x38;
	[tilespmem:$0xD000] =	vst v63  }
0x15c: {  	_ =	swait.ge [sflag:s20], $0x2000  }
0x15d: {  	[sflag:s20] =	ssyncset.done $0x0  }
0x15e: {  	[sflag:s20] =	ssyncadd.s32 $0xFFFFE000  }
0x15f: {  	s25 =	sadd.s32 $0x1, s25  }
0x160: {  	p0 =	sne.s32 s25, s18  }
.Ltmp5:
0x161: {  	_ = 	snop;
	(pc) =	sbr.rel @p0 .LBB2_1-.Ltmp5, $1  }
0x162: {  	_ =	sdelay $0x3  }
0x163: {  	_ =	sfence.sel $0x180000  }
0x164: {  	[bflag:$0x0] =	sbarrier.arrive $0xFFFF  }
0x165: {  	p0 =	sne.s32 s1, $0x0;
	_ =	strace $0x90000047  }
0x166: {  	s0 =	sadd.s32 @!p0 $0x100000, s0;
	[bflag:$0x2] =	sbarrier.arrive $0xFFFF  }
0x167: {  	[sflag:s0] =	ssyncadd.tile.s32 @!p0 $0x1;
	_ =	shalt  }
.Lfunc_end2:
_tile_overlayer_lowered:
.L_overlay_start_2:
0x168: {  	(tag) =	ssettag $0x2  }
0x169: {  	s0 =	rddreg [dreg:$0x0];
	s2 =	stileid.u32  }
0x16a: {  	s1 =	rddreg [dreg:$0x1];
	p0 =	sne.s32 s2, $0x0  }
0x16b: {  	s3 =	rddreg [dreg:$0x2];
	[bflag:$0x3] =	sbarrier.arrive $0xFFFF;
	s2 =	simm.s32 @!p0 $0x1C02  }
0x16c: {  	[timem:s3], [sflag:s2] =	dma.local @!p0 [hbm:s0], s1  }
0x16d: {  	s0 =	simm.s32 @!p0 $0x2  }
0x16e: {  	_ =	swait.ge @!p0 [sflag:s0], s1  }
0x16f: {  	s1 =	ssub.s32 @!p0 $0x0, s1;
	[sflag:s0] =	ssyncset.done @!p0 $0x0  }
0x170: {  	[sflag:s0] =	ssyncadd.s32 @!p0 s1  }
0x171: {  	[bflag:$0x3] =	sbarrier.arrive $0xFFFF  }
0x172: {  	_ =	shalt  }

// kernel: kernel.9.cloned.1.call-start
scs
__scs_entry_jumppad:
0x0: {  	(pc) =	sbr.rel $0x88, $3  }
0x1: {  	(tag) =	ssettag $0x0;
	lr =	simm.s32 $0x1  }
0x2: {  	[smem:$0x3F9B] =	sst lr;
	_ =	strace $0xD0000000  }
0x3: {  	_ = 	snop  }
0x4: {  	_ = 	snop  }
0x5: {  	_ = 	snop  }
0x6: {  	_ = 	snop  }
0x7: {  	_ = 	snop  }
__scs_overlays_trampoline_lowered:
0x8: {  	[smem:$0x3FAA] =	sst s0  }
0x9: {  	[smem:$0x3FAB] =	sst s1  }
0xa: {  	[smem:$0x3FAC] =	sst s2  }
0xb: {  	[smem:$0x3FAD] =	sst s3  }
0xc: {  	[smem:$0x3FAE] =	sst s4  }
0xd: {  	[smem:$0x3FAF] =	sst s5  }
0xe: {  	[smem:$0x3FB0] =	sst s6  }
0xf: {  	[smem:$0x3FB1] =	sst s7  }
0x10: {  	[smem:$0x3FB2] =	sst s8  }
0x11: {  	[smem:$0x3FB3] =	sst s9;
	s0 =	simm.s32 @!p0 $0x0  }
0x12: {  	s1 =	sld [smem:$0x3F99];
	s0 =	simm.s32 @p0 $0x1  }
0x13: {  	[smem:$0x3FB4] =	sst s0;
	s0 =	simm.s32 @!p1 $0x0  }
0x14: {  	s2 =	sld [smem:$0x3F98];
	s0 =	simm.s32 @p1 $0x1  }
0x15: {  	[smem:$0x3FB5] =	sst s0;
	s0 =	simm.s32 @!p2 $0x0  }
0x16: {  	s3 =	sld [smem:$0x3FDB];
	s0 =	simm.s32 @p2 $0x1  }
0x17: {  	s4 =	simm.s32 $0x1BF5;
	[smem:$0x3FB7] =	sst s0  }
0x18: {  	s0 =	sld [smem:$0x3F9A];
	_ =	swait.ge [sflag:s4], $0x0  }
0x19: {  	s7 =	sld [smem:$0x3F9B]  }
0x1a: {  	s8 =	sadd.s32 $0xFFFFE003, lr  }
0x1b: {  	s9 =	sadd.s32 $0xFFFFFEF7, lr;
	s5 =	simm.s32 $0xFFFFFFFF;
	p2 =	slt.u32 s8, $0xFFFFF086  }
0x1c: {  	p1 =	slt.u32 s9, $0xF7A;
	s5 =	simm.s32 @!p2 $0x0  }
0x1d: {  	s5 =	simm.s32 @p1 $0x1;
	p0 =	seq.s32 s7, s2  }
0x1e: {  	s7 =	smul.u32 @!p0 $0xF7A, s2;
	p2 =	seq.s32 @!p0 s5, $0x0  }
0x1f: {  	s9 =	smul.u32 $0xF7A, s1;
	s8 =	simm.s32 @!p0 $0x1BF5;
	p2 =	por !p2, p0  }
0x20: {  	[sflag:s8] =	ssyncset.s32 @!p0 $0xFFFFF086;
	s6 =	sadd.s32 @!p0 s3, s7;
	s7 =	simm.s32 @!p0 $0x108  }
0x21: {  	s3 =	sadd.s32 s3, s9;
	s6 =	sadd.s32 @!p0 $0x88, s6;
	s7 =	simm.s32 @p2 $0x1082  }
0x22: {  	[simem:s7], [sflag:s8] =	dma.local @!p0 [hbm:s6], $0xF7A  }
0x23: {  	s9 =	sor.u32 $0xD0000000, s2;
	s6 =	simm.s32 $0x108;
	_ =	swait.ge @!p0 [sflag:s8], $0x0  }
0x24: {  	s3 =	sadd.s32 $0x88, s3;
	s6 =	simm.s32 @!p1 $0x1082;
	[sflag:s4] =	ssyncset.s32 $0xFFFFF086  }
0x25: {  	[simem:s6], [sflag:s4] =	dma.local [hbm:s3], $0xF7A  }
0x26: {  	[smem:$0x3F9B] =	sst s1;
	(tag) =	ssettag s2;
	_ =	strace s9  }
0x27: {  	s1 =	sld [smem:$0x3FAB]  }
0x28: {  	s2 =	sld [smem:$0x3FAC]  }
0x29: {  	s4 =	sld [smem:$0x3FAE]  }
0x2a: {  	p0 =	seq.s32 s5, $0x0;
	s5 =	sld [smem:$0x3FAF]  }
0x2b: {  	s6 =	sld [smem:$0x3FB0]  }
0x2c: {  	s7 =	sld [smem:$0x3FB1]  }
0x2d: {  	s3 =	simm.s32 $0x108;
	s8 =	sld [smem:$0x3FB2]  }
0x2e: {  	s3 =	simm.s32 @!p0 $0x1082;
	s9 =	sld [smem:$0x3FB3]  }
0x2f: {  	lr =	sadd.s32 s0, s3;
	s0 =	sld [smem:$0x3FAA]  }
0x30: {  	s3 =	sld [smem:$0x3FAD]  }
0x31: {  	[smem:$0x3FB6] =	sst s10  }
0x32: {  	s10 =	sld [smem:$0x3FB4];
	_ =	sdelay $0x3  }
0x33: {  	p0 =	seq.s32 s10, $0x1;
	s10 =	sld [smem:$0x3FB6];
	_ =	sdelay $0x3  }
0x34: {  	[smem:$0x3FB6] =	sst s10  }
0x35: {  	s10 =	sld [smem:$0x3FB5];
	_ =	sdelay $0x3  }
0x36: {  	p1 =	seq.s32 s10, $0x1;
	s10 =	sld [smem:$0x3FB6];
	_ =	sdelay $0x3  }
0x37: {  	[smem:$0x3FB6] =	sst s10  }
0x38: {  	s10 =	sld [smem:$0x3FB7]  }
0x39: {  	_ = 	snop;
	(pc) =	sbr.ind lr, $3  }
0x3a: {  	_ = 	snop  }
0x3b: {  	_ = 	snop  }
0x3c: {  	p2 =	seq.s32 s10, $0x1;
	s10 =	sld [smem:$0x3FB6]  }
0x3d: {  	_ =	shalt  }
0x3e: {  	_ =	shalt  }
0x3f: {  	_ =	shalt  }
0x40: {  	_ =	shalt  }
0x41: {  	_ =	shalt  }
0x42: {  	_ =	shalt  }
0x43: {  	_ =	shalt  }
0x44: {  	_ =	shalt  }
0x45: {  	_ =	shalt  }
0x46: {  	_ =	shalt  }
0x47: {  	_ =	shalt  }
0x48: {  	_ =	shalt  }
0x49: {  	_ =	shalt  }
0x4a: {  	_ =	shalt  }
0x4b: {  	_ =	shalt  }
0x4c: {  	_ =	shalt  }
0x4d: {  	_ =	shalt  }
0x4e: {  	_ =	shalt  }
0x4f: {  	_ =	shalt  }
0x50: {  	_ =	shalt  }
0x51: {  	_ =	shalt  }
0x52: {  	_ =	shalt  }
0x53: {  	_ =	shalt  }
0x54: {  	_ =	shalt  }
0x55: {  	_ =	shalt  }
0x56: {  	_ =	shalt  }
0x57: {  	_ =	shalt  }
0x58: {  	_ =	shalt  }
0x59: {  	_ =	shalt  }
0x5a: {  	_ =	shalt  }
0x5b: {  	_ =	shalt  }
0x5c: {  	_ =	shalt  }
0x5d: {  	_ =	shalt  }
0x5e: {  	_ =	shalt  }
0x5f: {  	_ =	shalt  }
0x60: {  	_ =	shalt  }
0x61: {  	_ =	shalt  }
0x62: {  	_ =	shalt  }
0x63: {  	_ =	shalt  }
0x64: {  	_ =	shalt  }
0x65: {  	_ =	shalt  }
0x66: {  	_ =	shalt  }
0x67: {  	_ =	shalt  }
0x68: {  	_ =	shalt  }
0x69: {  	_ =	shalt  }
0x6a: {  	_ =	shalt  }
0x6b: {  	_ =	shalt  }
0x6c: {  	_ =	shalt  }
0x6d: {  	_ =	shalt  }
0x6e: {  	_ =	shalt  }
0x6f: {  	_ =	shalt  }
0x70: {  	_ =	shalt  }
0x71: {  	_ =	shalt  }
0x72: {  	_ =	shalt  }
0x73: {  	_ =	shalt  }
0x74: {  	_ =	shalt  }
0x75: {  	_ =	shalt  }
0x76: {  	_ =	shalt  }
0x77: {  	_ =	shalt  }
0x78: {  	_ =	shalt  }
0x79: {  	_ =	shalt  }
0x7a: {  	_ =	shalt  }
0x7b: {  	_ =	shalt  }
0x7c: {  	_ =	shalt  }
0x7d: {  	_ =	shalt  }
0x7e: {  	_ =	shalt  }
0x7f: {  	_ =	shalt  }
0x80: {  	_ =	shalt  }
0x81: {  	_ =	shalt  }
0x82: {  	_ =	shalt  }
0x83: {  	_ =	shalt  }
0x84: {  	_ =	shalt  }
0x85: {  	_ =	shalt  }
0x86: {  	_ =	shalt  }
0x87: {  	_ =	shalt  }
.Lfunc_end0:
.L_simem_size_0:
called_computation.1_lowered:
.L_overlay_start_0:
0x88: {  	s2 =	sld [smem:$0x3FD9]  }
0x89: {  	s3 =	sld [smem:$0x3FFE];
	_ =	sdelay $0x1  }
0x8a: {  	s1 =	srdreg.scid  }
0x8b: {  	s0 =	sand.u32 $0x1, s1  }
0x8c: {  	s14 =	sshll.u32 s0, $0xA;
	s2 =	sadd.s32 s3, s2  }
0x8d: {  	s2 =	sadd.s32 s2, s14  }
0x8e: {  	[smem:$0x3FC2] =	sst s2  }
0x8f: {  	_ = 	snop  }
0x90: {  	s2 =	sld [smem:$0x3FD0];
	_ =	sdelay $0x2  }
0x91: {  	s15 =	simm.s32 $0xA;
	s4 =	simm.s32 $0x10  }
0x92: {  	[smem:s4], [sflag:s15] =	dma.local [hbm:s2], $0x1  }
0x93: {  	_ =	swait.eq [sflag:s15], $0x1  }
0x94: {  	[sflag:s15] =	ssyncset.done $0x0  }
0x95: {  	s16 =	sld [smem:$0x10];
	[sflag:s15] =	ssyncadd.s32 $0xFFFFFFFF  }
0x96: {  	s17 =	sld [smem:$0x11];
	(tm) =	ssettm $0x1  }
0x97: {  	s18 =	sld [smem:$0x3FFB];
	_ =	sdelay $0x3  }
0x98: {  	_ =	strace s18  }
0x99: {  	s4 =	sld [smem:$0x3FFC];
	_ =	sdelay $0x3  }
0x9a: {  	_ =	strace s4  }
0x9b: {  	s4 =	sld [smem:$0x3FFD];
	_ =	sdelay $0x3  }
0x9c: {  	_ =	strace s4  }
0x9d: {  	_ =	strace $0x8FFFFFFF  }
0x9e: {  	s19 =	sld [smem:$0x3FDB];
	_ =	sdelay $0x1  }
0x9f: {  	s5 =	simm.s32 $_scs_section_size  }
0xa0: {  	s6 =	simm.s32 $_size__tile_overlayer_lowered;
	s7 =	simm.s32 $_tile_overlayer_lowered  }
0xa1: {  	s22 =	simm.s32 $0x1BFF;
	s21 =	sshll.u32 s7, $0x1;
	s4 =	sadd.s32 s5, s19  }
0xa2: {  	s8 =	simm.s32 $0x0;
	s20 =	sshll.u32 s6, $0x1;
	s6 =	sadd.s32 s21, s4  }
0xa3: {  	[timem:s8], [sflag:s22] =	dma.local [hbm:s6], s20  }
0xa4: {  	_ =	swait.ge [sflag:s22], s20  }
0xa5: {  	s5 =	ssub.s32 $0x0, s20;
	[sflag:s22] =	ssyncset.done $0x0  }
0xa6: {  	[sflag:s22] =	ssyncadd.s32 s5;
	_ =	sdelay $0x1  }
0xa7: {  	s23 =	simm.s32 $0x1B8B  }
0xa8: {  	_ =	swait.ge [sflag:s23], $0x1  }
0xa9: {  	[sflag:s23] =	ssyncset.done $0x0  }
0xaa: {  	s25 =	simm.s32 $0x1B8E;
	s24 =	sld [smem:$0x3FFE];
	[sflag:s23] =	ssyncadd.s32 $0xFFFFFFFF  }
0xab: {  	s26 =	simm.s32 $execute0_lowered;
	[smem:$0x3FD2] =	sst s25  }
0xac: {  	s6 =	sshll.u32 s26, $0x1;
	_ =	strace $0x80000049;
	[dreg:$0x1] =	wrdreg $0xFFFFFFFF  }
0xad: {  	s28 =	simm.s32 $_size_execute0_lowered;
	s4 =	sadd.s32 s4, s6;
	[dreg:$0x0] =	wrdreg $0x0  }
0xae: {  	s6 =	sshll.u32 s28, $0x1;
	[dreg:$0x2] =	wrdreg s4  }
0xaf: {  	[dreg:$0x3] =	wrdreg s6  }
0xb0: {  	[dreg:$0x4] =	wrdreg $0xC0  }
0xb1: {  	_ =	task [dreg:s8], $0x5FFFF  }
0xb2: {  	[dreg:$0x1] =	wrdreg $0xFFFFFFFF  }
0xb3: {  	[dreg:$0x0] =	wrdreg $0x60  }
0xb4: {  	[dreg:$0x2] =	wrdreg s17  }
0xb5: {  	[dreg:$0x3] =	wrdreg s24  }
0xb6: {  	[dreg:$0x4] =	wrdreg s16  }
0xb7: {  	[dreg:$0x5] =	wrdreg $0xA8000  }
0xb8: {  	[dreg:$0x6] =	wrdreg $0x9  }
0xb9: {  	_ =	task.clear_ibuf [dreg:s8], $0x7FFFF;
	_ =	strace $0x90000049  }
0xba: {  	s29 =	simm.s32 $0x9;
	_ =	strace $0x8000004B  }
0xbb: {  	_ =	swait.ge [sflag:s29], $0x1  }
0xbc: {  	[sflag:s29] =	ssyncadd.s32 $0xFFFFFFFF  }
0xbd: {  	_ =	strace $0x9000004B  }
0xbe: {  	_ =	sfence  }
0xbf: {  	s30 =	sld [smem:$0x0];
	_ =	sdelay $0x2  }
0xc0: {  	s31 =	sshll.u32 s1, $0xD;
	s1 =	sshrl.u32 s1, $0x2  }
0xc1: {  	s3 =	sand.u32 $0x4000, s31;
	s1 =	sadd.s32 s1, s30  }
0xc2: {  	s0 =	sor.u32 s3, s0;
	s1 =	sshll.u32 s1, $0x11  }
0xc3: {  	s0 =	sor.u32 s1, s0  }
0xc4: {  	s0 =	sadd.s32 $0x8F2B, s0  }
0xc5: {  	[sflag:s0] =	ssyncadd.remote.s32 $0x1  }
0xc6: {  	_ =	sfence.sel $0xFFFF  }
0xc7: {  	[dreg:$0x0] =	wrdreg $0xFFFFFFFF;
	(pc) =	sbr.abs _section_cstart, $3  }
0xc8: {  	[dreg:$0x1] =	wrdreg $0xFFFFFFFF  }
0xc9: {  	_ =	task.clear_ibuf [dreg:s8], $0x2FFFF;
	_ =	strace $0x9FFFFFFF  }
0xca: {  	(tm) =	ssettm $0x7FFFFFFF  }
0xcb: {  	_ =	shalt  }
tec
execute0_lowered:
.L_overlay_start_1:
0x0: {  	(tag) =	ssettag $0x1  }
0x1: {  	s1 =	rddreg [dreg:$0x0]  }
0x2: {  	s0 =	rddreg [dreg:$0x1]  }
0x3: {  	s4 =	rddreg [dreg:$0x2]  }
0x4: {  	s2 =	rddreg [dreg:$0x3];
	s3 =	simm.s32 $0x0  }
0x5: {  	s5 =	srdreg.scid;
	s9 =	stileid.u32;
	s28 =	simm.s32 $0x1380  }
0x6: {  	s29 =	simm.s32 $0x2700;
	s30 =	simm.s32 $0x2780;
	s31 =	simm.s32 $0x0  }
0x7: {  	[smem:$0x7FF] =	sst s3;
	s12 =	sadd.s32 $0x1E00, s0;
	s6 =	smul.u32 $0x50000, s9  }
0x8: {  	s10 =	sand.u32 $0x1, s5;
	s0 =	sadd.s32 $0xBE00, s0;
	s13 =	smul.u32 $0x14000, s9  }
0x9: {  	_ =	strace $0x8000004A;
	s5 =	ssub.s32 $0x2, s10;
	s8 =	sshll.u32 s10, $0x4  }
0xa: {  	s20 =	smul.u32 $0x140000, s10;
	s7 =	sshrl.u32 s5, $0x1;
	s8 =	sor.u32 s9, s8  }
0xb: {  	s25 =	sshrl.u32 s6, $0x2;
	s14 =	sadd.s32 $0x4000, s13;
	s16 =	sadd.s32 $0x8000, s13  }
0xc: {  	s17 =	sadd.s32 $0xC000, s13;
	s18 =	sadd.s32 $0x10000, s13;
	s19 =	ssub.s32 s5, s7  }
0xd: {  	s5 =	sadd.s32 s25, s2;
	s6 =	sadd.s32 s14, s2;
	s11 =	smul.u32 $0x500, s8  }
0xe: {  	s7 =	sadd.s32 s16, s2;
	s15 =	smul.u32 $0x2800, s8;
	s8 =	sadd.s32 s17, s2  }
0xf: {  	s9 =	sadd.s32 s18, s2;
	s13 =	sadd.s32 s13, s20;
	s14 =	sadd.s32 s20, s14  }
0x10: {  	s23 =	sadd.s32 s20, s16;
	s24 =	sadd.s32 s20, s17;
	s25 =	sadd.s32 s20, s18  }
0x11: {  	s20 =	sshrl.u32 s25, $0x3;
	s19 =	smax.u32 s19, $0x1;
	s25 =	simm.s32 $0x1  }
0x12: {  	s26 =	sadd.s32 s12, s11;
	s21 =	sadd.s32 s4, s11;
	s15 =	sshrl.u32 s15, $0x3  }
0x13: {  	s18 =	sadd.s32 s0, s20;
	s20 =	simm.s32 $0x2800;
	[dreg:$0x5] =	wrdreg s26  }
0x14: {  	[dreg:$0x6] =	wrdreg s21;
	s15 =	sadd.s32 $0x280, s15;
	s21 =	sshrl.u32 s13, $0x3  }
0x15: {  	s26 =	sshrl.u32 s24, $0x3;
	s24 =	simm.s32 $0x6800;
	s22 =	sadd.s32 s12, s15  }
0x16: {  	s13 =	sadd.s32 s4, s15;
	s4 =	sshrl.u32 s23, $0x3;
	s17 =	sadd.s32 s0, s26  }
0x17: {  	s23 =	simm.s32 $0x80;
	s26 =	simm.s32 $0x2;
	[dreg:$0x7] =	wrdreg s22  }
0x18: {  	s22 =	sshrl.u32 s14, $0x3;
	s14 =	sadd.s32 s0, s21;
	s16 =	sadd.s32 s0, s4  }
0x19: {  	v0 =	vimm.f32 $0.0e+00;
	s21 =	simm.s32 $0x3;
	s15 =	sadd.s32 s0, s22;
	s22 =	simm.s32 $0x1400  }
.LBB2_1:
0x1a: {  	s0 =	simm.s32 $0x0;
	s4 =	simm.s32 $0x200  }
.LBB2_2:
0x1b: {  	p0 =	sne.s32 s4, $0xFE00;
	[tilespmem:s0+$0x2870] =	vst v0  }
0x1c: {  	[tilespmem:s0+$0x2800] =	vst v0  }
0x1d: {  	[tilespmem:s0+$0x2810] =	vst v0  }
.Ltmp0:
0x1e: {  	[tilespmem:s0+$0x2820] =	vst v0;
	(pc) =	sbr.rel @p0 .LBB2_2-.Ltmp0, $4  }
0x1f: {  	[tilespmem:s0+$0x2830] =	vst v0  }
0x20: {  	[tilespmem:s0+$0x2840] =	vst v0  }
0x21: {  	[tilespmem:s0+$0x2850] =	vst v0  }
0x22: {  	[tilespmem:s0+$0x2860] =	vst v0;
	s0 =	sshra.s32 s4, $0x2;
	s4 =	sadd.s32 $0x200, s4  }
0x23: {  	[tilespmem:s0+$0x2870] =	vst v0  }
0x24: {  	[tilespmem:s0+$0x2800] =	vst v0  }
0x25: {  	[tilespmem:s0+$0x2810] =	vst v0  }
0x26: {  	[tilespmem:s0+$0x2820] =	vst v0  }
0x27: {  	[tilespmem:s0+$0x2830] =	vst v0  }
0x28: {  	[tilespmem:s0+$0x2840] =	vst v0  }
0x29: {  	[tilespmem:s0+$0x2850] =	vst v0  }
0x2a: {  	[tilespmem:s0+$0x2860] =	vst v0  }
0x2b: {  	[spmem:s5] =	stream.linear.scatter [tilespmem:s20], [sflag:$0x3], $0x4000, $0x38;
	[tilespmem:$0x1E800] =	vst v63  }
0x2c: {  	_ =	swait.ge [sflag:s21], $0x4000  }
0x2d: {  	[sflag:s21] =	ssyncset.done $0x0  }
0x2e: {  	[sflag:s21] =	ssyncadd.s32 $0xFFFFC000  }
0x2f: {  	[spmem:s6] =	stream.linear.scatter [tilespmem:s20], [sflag:$0x3], $0x4000, $0x38;
	[tilespmem:$0x1E800] =	vst v63  }
0x30: {  	_ =	swait.ge [sflag:s21], $0x4000  }
0x31: {  	[sflag:s21] =	ssyncset.done $0x0  }
0x32: {  	[sflag:s21] =	ssyncadd.s32 $0xFFFFC000  }
0x33: {  	[spmem:s7] =	stream.linear.scatter [tilespmem:s20], [sflag:$0x3], $0x4000, $0x38;
	[tilespmem:$0x1E800] =	vst v63  }
0x34: {  	_ =	swait.ge [sflag:s21], $0x4000  }
0x35: {  	[sflag:s21] =	ssyncset.done $0x0  }
0x36: {  	[sflag:s21] =	ssyncadd.s32 $0xFFFFC000  }
0x37: {  	[spmem:s8] =	stream.linear.scatter [tilespmem:s20], [sflag:$0x3], $0x4000, $0x38;
	[tilespmem:$0x1E800] =	vst v63  }
0x38: {  	_ =	swait.ge [sflag:s21], $0x4000  }
0x39: {  	[sflag:s21] =	ssyncset.done $0x0  }
0x3a: {  	[sflag:s21] =	ssyncadd.s32 $0xFFFFC000  }
0x3b: {  	[spmem:s9] =	stream.linear.scatter [tilespmem:s20], [sflag:$0x3], $0x4000, $0x38;
	[tilespmem:$0x1E800] =	vst v63  }
0x3c: {  	_ =	swait.ge [sflag:s21], $0x4000  }
0x3d: {  	[sflag:s21] =	ssyncset.done $0x0  }
0x3e: {  	[sflag:s21] =	ssyncadd.s32 $0xFFFFC000  }
0x3f: {  	[bflag:$0x0] =	sbarrier.arrive $0xFFFF  }
0x40: {  	s11 =	simm.s32 $0x0;
	s4 =	rddreg [dreg:$0x5]  }
0x41: {  	[tilespmem:s11], [sflag:$0x3] =	stream.linear.gather [hbm4b:s4+s11], $0x1400, $0x38;
	[tilespmem:$0x1E800] =	vst v63  }
0x42: {  	_ =	swait.ge [sflag:s21], $0x1400  }
0x43: {  	[sflag:s21] =	ssyncset.done $0x0  }
0x44: {  	s12 =	rddreg [dreg:$0x6];
	[sflag:s21] =	ssyncadd.s32 $0xFFFFEC00  }
0x45: {  	[tilespmem:s22], [sflag:$0x3] =	stream.linear.gather [hbm4b:s12+s11], $0x1400, $0x38;
	[tilespmem:$0x1E800] =	vst v63  }
0x46: {  	_ =	swait.ge [sflag:s21], $0x1400  }
0x47: {  	[sflag:s21] =	ssyncset.done $0x0  }
0x48: {  	[sflag:s21] =	ssyncadd.s32 $0xFFFFEC00  }
0x49: {  	[tilespmem:s20], [sflag:$0x1] =	stream.indirect.gather [hbm4b:s1+s23], $0x80, s11, s23, $0xb8;
	[tilespmem:$0x1E800] =	vst v63  }
0x4a: {  	s4 =	simm.s32 $0x80  }
0x4b: {  	[tilespmem:s24], [sflag:$0x2] =	stream.indirect.gather [hbm4b:s1+s23], $0x80, s4, s23, $0xb8;
	[tilespmem:$0x1E800] =	vst v63  }
0x4c: {  	_ =	swait.ge [sflag:s25], $0x4000  }
0x4d: {  	[sflag:s25] =	ssyncset.done $0x0  }
0x4e: {  	s10 =	simm.s32 $0x1400;
	[sflag:s25] =	ssyncadd.s32 $0xFFFFC000  }
0x4f: {  	[spmem:s2] =	stream.indirect.scatter.add.f32 [tilespmem:s20], [sflag:$0x3], $0x80, s10, s23, $0xb8;
	[tilespmem:$0x1E800] =	vst v63  }
0x50: {  	_ =	swait.ge [sflag:s21], $0x4000  }
0x51: {  	[sflag:s21] =	ssyncset.done $0x0  }
0x52: {  	s11 =	simm.s32 $0x100;
	[sflag:s21] =	ssyncadd.s32 $0xFFFFC000  }
0x53: {  	[tilespmem:s20], [sflag:$0x1] =	stream.indirect.gather [hbm4b:s1+s23], $0x80, s11, s23, $0xb8;
	[tilespmem:$0x1E800] =	vst v63  }
0x54: {  	_ =	swait.ge [sflag:s26], $0x4000  }
0x55: {  	[sflag:s26] =	ssyncset.done $0x0  }
0x56: {  	s12 =	simm.s32 $0x1480;
	[sflag:s26] =	ssyncadd.s32 $0xFFFFC000  }
0x57: {  	[spmem:s2] =	stream.indirect.scatter.add.f32 [tilespmem:s24], [sflag:$0x3], $0x80, s12, s23, $0xb8;
	[tilespmem:$0x1E800] =	vst v63  }
0x58: {  	_ =	swait.ge [sflag:s21], $0x4000  }
0x59: {  	s0 =	simm.s32 $0x100;
	s4 =	simm.s32 $0x800;
	[sflag:s21] =	ssyncset.done $0x0  }
.LBB2_4:
0x5a: {  	s10 =	sadd.s32 $0x80, s0  }
0x5b: {  	[sflag:s21] =	ssyncadd.s32 $0xFFFFC000;
	s11 =	smov.u32 s4;
	s12 =	sadd.s32 $0x400, s4  }
0x5c: {  	[tilespmem:s24], [sflag:$0x2] =	stream.indirect.gather [hbm4b:s1+s23], $0x80, s10, s23, $0xb8;
	[tilespmem:$0x1E800] =	vst v63  }
0x5d: {  	p0 =	sne.s32 s4, $0x4800;
	_ =	swait.ge [sflag:s25], $0x4000  }
0x5e: {  	[sflag:s25] =	ssyncset.done $0x0  }
0x5f: {  	s4 =	sadd.s32 $0x1400, s0;
	[sflag:s25] =	ssyncadd.s32 $0xFFFFC000  }
0x60: {  	[spmem:s2] =	stream.indirect.scatter.add.f32 [tilespmem:s20], [sflag:$0x3], $0x80, s4, s23, $0xb8;
	[tilespmem:$0x1E800] =	vst v63  }
0x61: {  	_ =	swait.ge [sflag:s21], $0x4000  }
0x62: {  	[sflag:s21] =	ssyncset.done $0x0  }
0x63: {  	s4 =	sadd.s32 $0x100, s0;
	[sflag:s21] =	ssyncadd.s32 $0xFFFFC000  }
0x64: {  	[tilespmem:s20], [sflag:$0x1] =	stream.indirect.gather [hbm4b:s1+s23], $0x80, s4, s23, $0xb8;
	[tilespmem:$0x1E800] =	vst v63  }
0x65: {  	_ =	swait.ge [sflag:s26], $0x4000  }
.Ltmp1:
0x66: {  	[sflag:s26] =	ssyncset.done $0x0;
	(pc) =	sbr.rel @p0 .LBB2_4-.Ltmp1, $4  }
0x67: {  	s0 =	sadd.s32 $0x1480, s0;
	[sflag:s26] =	ssyncadd.s32 $0xFFFFC000  }
0x68: {  	[spmem:s2] =	stream.indirect.scatter.add.f32 [tilespmem:s24], [sflag:$0x3], $0x80, s0, s23, $0xb8;
	[tilespmem:$0x1E800] =	vst v63  }
0x69: {  	_ =	swait.ge [sflag:s21], $0x4000  }
0x6a: {  	s4 =	smov.u32 s12;
	s0 =	sshra.s32 s11, $0x2;
	[sflag:s21] =	ssyncset.done $0x0  }
0x6b: {  	s4 =	sadd.s32 $0x80, s0;
	[sflag:s21] =	ssyncadd.s32 $0xFFFFC000  }
0x6c: {  	[tilespmem:s24], [sflag:$0x2] =	stream.indirect.gather [hbm4b:s1+s23], $0x80, s4, s23, $0xb8;
	[tilespmem:$0x1E800] =	vst v63  }
0x6d: {  	_ =	swait.ge [sflag:s25], $0x4000  }
0x6e: {  	[sflag:s25] =	ssyncset.done $0x0  }
0x6f: {  	s11 =	sadd.s32 $0x1400, s0;
	[sflag:s25] =	ssyncadd.s32 $0xFFFFC000  }
0x70: {  	[spmem:s2] =	stream.indirect.scatter.add.f32 [tilespmem:s20], [sflag:$0x3], $0x80, s11, s23, $0xb8;
	[tilespmem:$0x1E800] =	vst v63  }
0x71: {  	_ =	swait.ge [sflag:s21], $0x4000  }
0x72: {  	[sflag:s21] =	ssyncset.done $0x0  }
0x73: {  	s12 =	sadd.s32 $0x100, s0;
	[sflag:s21] =	ssyncadd.s32 $0xFFFFC000  }
0x74: {  	[tilespmem:s20], [sflag:$0x1] =	stream.indirect.gather [hbm4b:s1+s23], $0x80, s12, s23, $0xb8;
	[tilespmem:$0x1E800] =	vst v63  }
0x75: {  	_ =	swait.ge [sflag:s26], $0x4000  }
0x76: {  	[sflag:s26] =	ssyncset.done $0x0  }
0x77: {  	s10 =	sadd.s32 $0x1480, s0;
	[sflag:s26] =	ssyncadd.s32 $0xFFFFC000  }
0x78: {  	[spmem:s2] =	stream.indirect.scatter.add.f32 [tilespmem:s24], [sflag:$0x3], $0x80, s10, s23, $0xb8;
	[tilespmem:$0x1E800] =	vst v63  }
0x79: {  	_ =	swait.ge [sflag:s21], $0x4000  }
0x7a: {  	[sflag:s21] =	ssyncset.done $0x0  }
0x7b: {  	[sflag:s21] =	ssyncadd.s32 $0xFFFFC000  }
0x7c: {  	[tilespmem:s24], [sflag:$0x2] =	stream.indirect.gather [hbm4b:s1+s23], $0x80, s28, s23, $0xb8;
	[tilespmem:$0x1E800] =	vst v63  }
0x7d: {  	_ =	swait.ge [sflag:s25], $0x4000  }
0x7e: {  	[sflag:s25] =	ssyncset.done $0x0  }
0x7f: {  	[sflag:s25] =	ssyncadd.s32 $0xFFFFC000  }
0x80: {  	[spmem:s2] =	stream.indirect.scatter.add.f32 [tilespmem:s20], [sflag:$0x3], $0x80, s29, s23, $0xb8;
	[tilespmem:$0x1E800] =	vst v63  }
0x81: {  	_ =	swait.ge [sflag:s21], $0x4000  }
0x82: {  	[sflag:s21] =	ssyncset.done $0x0  }
0x83: {  	[sflag:s21] =	ssyncadd.s32 $0xFFFFC000  }
0x84: {  	_ =	swait.ge [sflag:s26], $0x4000  }
0x85: {  	[sflag:s26] =	ssyncset.done $0x0  }
0x86: {  	[sflag:s26] =	ssyncadd.s32 $0xFFFFC000  }
0x87: {  	[spmem:s2] =	stream.indirect.scatter.add.f32 [tilespmem:s24], [sflag:$0x3], $0x80, s30, s23, $0xb8;
	[tilespmem:$0x1E800] =	vst v63  }
0x88: {  	_ =	swait.ge [sflag:s21], $0x4000  }
0x89: {  	[sflag:s21] =	ssyncset.done $0x0  }
0x8a: {  	s11 =	simm.s32 $0x0;
	s12 =	rddreg [dreg:$0x7];
	[sflag:s21] =	ssyncadd.s32 $0xFFFFC000  }
0x8b: {  	[tilespmem:s11], [sflag:$0x3] =	stream.linear.gather [hbm4b:s12+s11], $0x1400, $0x38;
	[tilespmem:$0x1E800] =	vst v63  }
0x8c: {  	_ =	swait.ge [sflag:s21], $0x1400  }
0x8d: {  	[sflag:s21] =	ssyncset.done $0x0  }
0x8e: {  	[sflag:s21] =	ssyncadd.s32 $0xFFFFEC00  }
0x8f: {  	[tilespmem:s22], [sflag:$0x3] =	stream.linear.gather [hbm4b:s13+s11], $0x1400, $0x38;
	[tilespmem:$0x1E800] =	vst v63  }
0x90: {  	_ =	swait.ge [sflag:s21], $0x1400  }
0x91: {  	[sflag:s21] =	ssyncset.done $0x0  }
0x92: {  	[sflag:s21] =	ssyncadd.s32 $0xFFFFEC00  }
0x93: {  	[tilespmem:s20], [sflag:$0x1] =	stream.indirect.gather [hbm4b:s1+s23], $0x80, s11, s23, $0xb8;
	[tilespmem:$0x1E800] =	vst v63  }
0x94: {  	s4 =	simm.s32 $0x80  }
0x95: {  	[tilespmem:s24], [sflag:$0x2] =	stream.indirect.gather [hbm4b:s1+s23], $0x80, s4, s23, $0xb8;
	[tilespmem:$0x1E800] =	vst v63  }
0x96: {  	_ =	swait.ge [sflag:s25], $0x4000  }
0x97: {  	[sflag:s25] =	ssyncset.done $0x0  }
0x98: {  	s10 =	simm.s32 $0x1400;
	[sflag:s25] =	ssyncadd.s32 $0xFFFFC000  }
0x99: {  	[spmem:s2] =	stream.indirect.scatter.add.f32 [tilespmem:s20], [sflag:$0x3], $0x80, s10, s23, $0xb8;
	[tilespmem:$0x1E800] =	vst v63  }
0x9a: {  	_ =	swait.ge [sflag:s21], $0x4000  }
0x9b: {  	[sflag:s21] =	ssyncset.done $0x0  }
0x9c: {  	s11 =	simm.s32 $0x100;
	[sflag:s21] =	ssyncadd.s32 $0xFFFFC000  }
0x9d: {  	[tilespmem:s20], [sflag:$0x1] =	stream.indirect.gather [hbm4b:s1+s23], $0x80, s11, s23, $0xb8;
	[tilespmem:$0x1E800] =	vst v63  }
0x9e: {  	_ =	swait.ge [sflag:s26], $0x4000  }
0x9f: {  	[sflag:s26] =	ssyncset.done $0x0  }
0xa0: {  	s12 =	simm.s32 $0x1480;
	[sflag:s26] =	ssyncadd.s32 $0xFFFFC000  }
0xa1: {  	[spmem:s2] =	stream.indirect.scatter.add.f32 [tilespmem:s24], [sflag:$0x3], $0x80, s12, s23, $0xb8;
	[tilespmem:$0x1E800] =	vst v63  }
0xa2: {  	_ =	swait.ge [sflag:s21], $0x4000  }
0xa3: {  	s0 =	simm.s32 $0x100;
	s4 =	simm.s32 $0x800;
	[sflag:s21] =	ssyncset.done $0x0  }
.LBB2_6:
0xa4: {  	s10 =	sadd.s32 $0x80, s0  }
0xa5: {  	[sflag:s21] =	ssyncadd.s32 $0xFFFFC000;
	s11 =	smov.u32 s4;
	s12 =	sadd.s32 $0x400, s4  }
0xa6: {  	[tilespmem:s24], [sflag:$0x2] =	stream.indirect.gather [hbm4b:s1+s23], $0x80, s10, s23, $0xb8;
	[tilespmem:$0x1E800] =	vst v63  }
0xa7: {  	p0 =	sne.s32 s4, $0x4800;
	_ =	swait.ge [sflag:s25], $0x4000  }
0xa8: {  	[sflag:s25] =	ssyncset.done $0x0  }
0xa9: {  	s4 =	sadd.s32 $0x1400, s0;
	[sflag:s25] =	ssyncadd.s32 $0xFFFFC000  }
0xaa: {  	[spmem:s2] =	stream.indirect.scatter.add.f32 [tilespmem:s20], [sflag:$0x3], $0x80, s4, s23, $0xb8;
	[tilespmem:$0x1E800] =	vst v63  }
0xab: {  	_ =	swait.ge [sflag:s21], $0x4000  }
0xac: {  	[sflag:s21] =	ssyncset.done $0x0  }
0xad: {  	s4 =	sadd.s32 $0x100, s0;
	[sflag:s21] =	ssyncadd.s32 $0xFFFFC000  }
0xae: {  	[tilespmem:s20], [sflag:$0x1] =	stream.indirect.gather [hbm4b:s1+s23], $0x80, s4, s23, $0xb8;
	[tilespmem:$0x1E800] =	vst v63  }
0xaf: {  	_ =	swait.ge [sflag:s26], $0x4000  }
.Ltmp2:
0xb0: {  	[sflag:s26] =	ssyncset.done $0x0;
	(pc) =	sbr.rel @p0 .LBB2_6-.Ltmp2, $4  }
0xb1: {  	s0 =	sadd.s32 $0x1480, s0;
	[sflag:s26] =	ssyncadd.s32 $0xFFFFC000  }
0xb2: {  	[spmem:s2] =	stream.indirect.scatter.add.f32 [tilespmem:s24], [sflag:$0x3], $0x80, s0, s23, $0xb8;
	[tilespmem:$0x1E800] =	vst v63  }
0xb3: {  	_ =	swait.ge [sflag:s21], $0x4000  }
0xb4: {  	s4 =	smov.u32 s12;
	s0 =	sshra.s32 s11, $0x2;
	[sflag:s21] =	ssyncset.done $0x0  }
0xb5: {  	s4 =	sadd.s32 $0x80, s0;
	[sflag:s21] =	ssyncadd.s32 $0xFFFFC000  }
0xb6: {  	[tilespmem:s24], [sflag:$0x2] =	stream.indirect.gather [hbm4b:s1+s23], $0x80, s4, s23, $0xb8;
	[tilespmem:$0x1E800] =	vst v63  }
0xb7: {  	_ =	swait.ge [sflag:s25], $0x4000  }
0xb8: {  	[sflag:s25] =	ssyncset.done $0x0  }
0xb9: {  	s10 =	sadd.s32 $0x1400, s0;
	[sflag:s25] =	ssyncadd.s32 $0xFFFFC000  }
0xba: {  	[spmem:s2] =	stream.indirect.scatter.add.f32 [tilespmem:s20], [sflag:$0x3], $0x80, s10, s23, $0xb8;
	[tilespmem:$0x1E800] =	vst v63  }
0xbb: {  	_ =	swait.ge [sflag:s21], $0x4000  }
0xbc: {  	[sflag:s21] =	ssyncset.done $0x0  }
0xbd: {  	s11 =	sadd.s32 $0x100, s0;
	[sflag:s21] =	ssyncadd.s32 $0xFFFFC000  }
0xbe: {  	[tilespmem:s20], [sflag:$0x1] =	stream.indirect.gather [hbm4b:s1+s23], $0x80, s11, s23, $0xb8;
	[tilespmem:$0x1E800] =	vst v63  }
0xbf: {  	_ =	swait.ge [sflag:s26], $0x4000  }
0xc0: {  	[sflag:s26] =	ssyncset.done $0x0  }
0xc1: {  	s12 =	sadd.s32 $0x1480, s0;
	[sflag:s26] =	ssyncadd.s32 $0xFFFFC000  }
0xc2: {  	[spmem:s2] =	stream.indirect.scatter.add.f32 [tilespmem:s24], [sflag:$0x3], $0x80, s12, s23, $0xb8;
	[tilespmem:$0x1E800] =	vst v63  }
0xc3: {  	_ =	swait.ge [sflag:s21], $0x4000  }
0xc4: {  	[sflag:s21] =	ssyncset.done $0x0  }
0xc5: {  	[sflag:s21] =	ssyncadd.s32 $0xFFFFC000  }
0xc6: {  	[tilespmem:s24], [sflag:$0x2] =	stream.indirect.gather [hbm4b:s1+s23], $0x80, s28, s23, $0xb8;
	[tilespmem:$0x1E800] =	vst v63  }
0xc7: {  	_ =	swait.ge [sflag:s25], $0x4000  }
0xc8: {  	[sflag:s25] =	ssyncset.done $0x0  }
0xc9: {  	[sflag:s25] =	ssyncadd.s32 $0xFFFFC000  }
0xca: {  	[spmem:s2] =	stream.indirect.scatter.add.f32 [tilespmem:s20], [sflag:$0x3], $0x80, s29, s23, $0xb8;
	[tilespmem:$0x1E800] =	vst v63  }
0xcb: {  	_ =	swait.ge [sflag:s21], $0x4000  }
0xcc: {  	[sflag:s21] =	ssyncset.done $0x0  }
0xcd: {  	[sflag:s21] =	ssyncadd.s32 $0xFFFFC000  }
0xce: {  	_ =	swait.ge [sflag:s26], $0x4000  }
0xcf: {  	[sflag:s26] =	ssyncset.done $0x0  }
0xd0: {  	[sflag:s26] =	ssyncadd.s32 $0xFFFFC000  }
0xd1: {  	[spmem:s2] =	stream.indirect.scatter.add.f32 [tilespmem:s24], [sflag:$0x3], $0x80, s30, s23, $0xb8;
	[tilespmem:$0x1E800] =	vst v63  }
0xd2: {  	_ =	swait.ge [sflag:s21], $0x4000  }
0xd3: {  	[sflag:s21] =	ssyncset.done $0x0  }
0xd4: {  	[sflag:s21] =	ssyncadd.s32 $0xFFFFC000  }
0xd5: {  	[bflag:$0x0] =	sbarrier.arrive $0xFFFF  }
0xd6: {  	[tilespmem:s20], [sflag:$0x1] =	stream.linear.gather [spmem:s5], $0x4000, $0x38;
	[tilespmem:$0x1E800] =	vst v63  }
0xd7: {  	_ =	swait.ge [sflag:s25], $0x4000  }
0xd8: {  	[sflag:s25] =	ssyncset.done $0x0  }
0xd9: {  	[sflag:s25] =	ssyncadd.s32 $0xFFFFC000  }
0xda: {  	[tilespmem:s24], [sflag:$0x1] =	stream.linear.gather [spmem:s6], $0x4000, $0x38;
	[tilespmem:$0x1E800] =	vst v63  }
0xdb: {  	_ = 	snop  }
0xdc: {  	[hbm4b:s14+s3] =	stream.linear.scatter [tilespmem:s20], [sflag:$0x3], $0x4000, $0x38;
	[tilespmem:$0x1E800] =	vst v63  }
0xdd: {  	_ =	swait.ge [sflag:s21], $0x4000  }
0xde: {  	[sflag:s21] =	ssyncset.done $0x0  }
0xdf: {  	[sflag:s21] =	ssyncadd.s32 $0xFFFFC000  }
0xe0: {  	_ =	swait.ge [sflag:s25], $0x4000  }
0xe1: {  	[sflag:s25] =	ssyncset.done $0x0  }
0xe2: {  	[sflag:s25] =	ssyncadd.s32 $0xFFFFC000  }
0xe3: {  	[tilespmem:s20], [sflag:$0x1] =	stream.linear.gather [spmem:s7], $0x4000, $0x38;
	[tilespmem:$0x1E800] =	vst v63  }
0xe4: {  	_ = 	snop  }
0xe5: {  	[hbm4b:s15+s3] =	stream.linear.scatter [tilespmem:s24], [sflag:$0x3], $0x4000, $0x38;
	[tilespmem:$0x1E800] =	vst v63  }
0xe6: {  	_ =	swait.ge [sflag:s21], $0x4000  }
0xe7: {  	[sflag:s21] =	ssyncset.done $0x0  }
0xe8: {  	[sflag:s21] =	ssyncadd.s32 $0xFFFFC000  }
0xe9: {  	_ =	swait.ge [sflag:s25], $0x4000  }
0xea: {  	[sflag:s25] =	ssyncset.done $0x0  }
0xeb: {  	[sflag:s25] =	ssyncadd.s32 $0xFFFFC000  }
0xec: {  	[tilespmem:s24], [sflag:$0x1] =	stream.linear.gather [spmem:s8], $0x4000, $0x38;
	[tilespmem:$0x1E800] =	vst v63  }
0xed: {  	_ = 	snop  }
0xee: {  	[hbm4b:s16+s3] =	stream.linear.scatter [tilespmem:s20], [sflag:$0x3], $0x4000, $0x38;
	[tilespmem:$0x1E800] =	vst v63  }
0xef: {  	_ =	swait.ge [sflag:s21], $0x4000  }
0xf0: {  	[sflag:s21] =	ssyncset.done $0x0  }
0xf1: {  	[sflag:s21] =	ssyncadd.s32 $0xFFFFC000  }
0xf2: {  	_ =	swait.ge [sflag:s25], $0x4000  }
0xf3: {  	[sflag:s25] =	ssyncset.done $0x0  }
0xf4: {  	[sflag:s25] =	ssyncadd.s32 $0xFFFFC000  }
0xf5: {  	[tilespmem:s20], [sflag:$0x1] =	stream.linear.gather [spmem:s9], $0x4000, $0x38;
	[tilespmem:$0x1E800] =	vst v63  }
0xf6: {  	_ = 	snop  }
0xf7: {  	[hbm4b:s17+s3] =	stream.linear.scatter [tilespmem:s24], [sflag:$0x3], $0x4000, $0x38;
	[tilespmem:$0x1E800] =	vst v63  }
0xf8: {  	_ =	swait.ge [sflag:s21], $0x4000  }
0xf9: {  	[sflag:s21] =	ssyncset.done $0x0  }
0xfa: {  	[sflag:s21] =	ssyncadd.s32 $0xFFFFC000  }
0xfb: {  	s31 =	sadd.s32 $0x1, s31;
	_ =	swait.ge [sflag:s25], $0x4000  }
0xfc: {  	p0 =	sne.s32 s31, s19;
	[sflag:s25] =	ssyncset.done $0x0  }
.Ltmp3:
0xfd: {  	[sflag:s25] =	ssyncadd.s32 $0xFFFFC000;
	(pc) =	sbr.rel @p0 .LBB2_1-.Ltmp3, $4  }
0xfe: {  	[hbm4b:s18+s3] =	stream.linear.scatter [tilespmem:s20], [sflag:$0x3], $0x4000, $0x38;
	[tilespmem:$0x1E800] =	vst v63  }
0xff: {  	_ =	swait.ge [sflag:s21], $0x4000  }
0x100: {  	[sflag:s21] =	ssyncset.done $0x0  }
0x101: {  	[sflag:s21] =	ssyncadd.s32 $0xFFFFC000  }
0x102: {  	_ =	sfence.sel $0x180000  }
0x103: {  	[bflag:$0x0] =	sbarrier.arrive $0xFFFF  }
0x104: {  	_ =	strace $0x9000004A  }
0x105: {  	s0 =	stileid.u32;
	[bflag:$0x2] =	sbarrier.arrive $0xFFFF  }
0x106: {  	p0 =	sne.s32 s0, $0x0;
	s0 =	rddreg [dreg:$0x4]  }
0x107: {  	s0 =	sadd.s32 @!p0 $0x100000, s0  }
0x108: {  	[sflag:s0] =	ssyncadd.tile.s32 @!p0 $0x1;
	_ =	shalt  }
.Lfunc_end2:
_tile_overlayer_lowered:
.L_overlay_start_2:
0x109: {  	(tag) =	ssettag $0x2  }
0x10a: {  	s0 =	rddreg [dreg:$0x0];
	s2 =	stileid.u32  }
0x10b: {  	s1 =	rddreg [dreg:$0x1];
	p0 =	sne.s32 s2, $0x0  }
0x10c: {  	s3 =	rddreg [dreg:$0x2];
	[bflag:$0x3] =	sbarrier.arrive $0xFFFF;
	s2 =	simm.s32 @!p0 $0x1C03  }
0x10d: {  	[timem:s3], [sflag:s2] =	dma.local @!p0 [hbm:s0], s1  }
0x10e: {  	s0 =	simm.s32 @!p0 $0x3  }
0x10f: {  	_ =	swait.ge @!p0 [sflag:s0], s1  }
0x110: {  	s1 =	ssub.s32 @!p0 $0x0, s1;
	[sflag:s0] =	ssyncset.done @!p0 $0x0  }
0x111: {  	[sflag:s0] =	ssyncadd.s32 @!p0 s1  }
0x112: {  	[bflag:$0x3] =	sbarrier.arrive $0xFFFF  }
0x113: {  	_ =	shalt  }

</sc_bundles>
